<compile_context>
chip_gen: v7x
topology: tpu7x:2x2x1
jax: 0.10.2.dev20260603
libtpu: 0.0.44.dev20260713+nightly
codegen_flags: <defaults>
</compile_context>

<pallas_src>
import functools

import jax
import jax.numpy as jnp
from jax import lax
from jax.experimental import pallas as pl
from jax.experimental.pallas import tpu as pltpu
from jax.experimental.pallas import tpu_sc as plsc

N = 10000
E = 320000
D = 128

NC = 2
NS = 16
NW = NC * NS
K = 128
G = -(-E // (NW * K))
E_PAD = NW * G * K
NB = 79
W128 = 128
NPAD = NB * W128
PAD_ROW = 10048
RPT = NPAD // NS

_mesh = plsc.VectorSubcoreMesh(core_axis_name="c", subcore_axis_name="s")


@functools.partial(
    pl.kernel,
    out_type=jax.ShapeDtypeStruct((NC, NB, W128), jnp.float32),
    mesh=_mesh,
    compiler_params=pltpu.CompilerParams(needs_layout_passes=False),
    scratch_types=[
        pltpu.VMEM((G, K), jnp.int32),
        pltpu.VMEM((NB, W128), jnp.float32),
        pltpu.VMEM((NB,), jnp.int32),
        pltpu.VMEM_SHARED((NB, W128), jnp.float32),
    ],
)
def _deg_kernel(dst_hbm, iota_hbm, zeros_hbm, deg_out, dst_v, deg_v, idt_v, acc):
    c = lax.axis_index("c")
    s = lax.axis_index("s")
    t = c * NS + s

    @pl.when(s == 0)
    def _():
        pltpu.sync_copy(zeros_hbm, acc)

    pltpu.sync_copy(dst_hbm.at[t], dst_v)
    pltpu.sync_copy(iota_hbm, idt_v)

    @pl.loop(0, NB)
    def _(r):
        @pl.loop(0, W128 // 16)
        def _(j):
            deg_v[r, pl.ds(j * 16, 16)] = jnp.zeros((16,), jnp.float32)

    ones = jnp.ones((16,), jnp.float32)

    @pl.loop(0, G)
    def _(g):
        @pl.loop(0, K // 16)
        def _(j):
            idx = dst_v[g, pl.ds(j * 16, 16)]
            plsc.addupdate_scatter(deg_v, [idx >> 7, idx & 127], ones)

    plsc.subcore_barrier()
    pltpu.sync_copy(deg_v, acc.at[idt_v], add=True)
    plsc.subcore_barrier()

    @pl.when(s == 0)
    def _():
        pltpu.sync_copy(acc, deg_out.at[c])


@functools.partial(
    pl.kernel,
    out_type=jax.ShapeDtypeStruct((NC, NPAD, D), jnp.float32),
    mesh=_mesh,
    scratch_types=[
        pltpu.VMEM((G, K), jnp.int32),
        pltpu.VMEM((2, 1, K), jnp.int32),
        pltpu.VMEM((2, K, D), jnp.float32),
        pltpu.VMEM_SHARED((NPAD, D), jnp.float32),
        pltpu.SemaphoreType.DMA((2,)),
        pltpu.SemaphoreType.DMA((2,)),
    ],
)
def _aggr_kernel(y_hbm, src_hbm, dst_hbm, zeros_hbm, part_out,
                 src_v, dstb, rows_v, acc, semg, semd):
    c = lax.axis_index("c")
    s = lax.axis_index("s")
    t = c * NS + s
    pltpu.sync_copy(zeros_hbm.at[pl.ds(s * RPT, RPT)],
                    acc.at[pl.ds(s * RPT, RPT)])
    pltpu.sync_copy(src_hbm.at[t], src_v)
    plsc.subcore_barrier()

    y_c = y_hbm.at[c]
    pltpu.async_copy(dst_hbm.at[t, 0], dstb.at[0], semd.at[0])
    pltpu.async_copy(dst_hbm.at[t, 1], dstb.at[1], semd.at[1])
    pltpu.async_copy(y_c.at[src_v.at[0]], rows_v.at[0], semg.at[0])

    @pl.loop(0, G)
    def _(g):
        b = g % 2

        @pl.when(g < G - 1)
        def _():
            pltpu.async_copy(y_c.at[src_v.at[g + 1]],
                             rows_v.at[1 - b], semg.at[1 - b])

        pltpu.make_async_copy(y_c.at[src_v.at[g]],
                              rows_v.at[b], semg.at[b]).wait()
        pltpu.make_async_copy(dst_hbm.at[t, g], dstb.at[b], semd.at[b]).wait()
        pltpu.sync_copy(rows_v.at[b], acc.at[dstb.at[b, 0]], add=True)

        @pl.when(g < G - 2)
        def _():
            pltpu.async_copy(dst_hbm.at[t, g + 2], dstb.at[b], semd.at[b])

    plsc.subcore_barrier()
    pltpu.sync_copy(acc.at[pl.ds(s * RPT, RPT)],
                    part_out.at[c, pl.ds(s * RPT, RPT)])


def _dinv_col(d_ref):
    deg = d_ref[0] + d_ref[1]
    dv = lax.rsqrt(jnp.maximum(deg, 1.0))
    cols = [jnp.transpose(dv[g:g + 1, :]) for g in range(NB)]
    return jnp.concatenate(cols, axis=0)


def _scale_body(d_ref, x_ref, y_ref):
    y = x_ref[...] * _dinv_col(d_ref)
    y_ref[0] = y
    y_ref[1] = y


def _scale(deg, x_pad):
    return pl.pallas_call(
        _scale_body,
        out_shape=jax.ShapeDtypeStruct((NC, NPAD, D), jnp.float32),
    )(deg, x_pad)


def _update_body(d_ref, p0_ref, p1_ref, w_ref, b_ref, o_ref):
    aggr = (p0_ref[...] + p1_ref[...]) * _dinv_col(d_ref)
    o_ref[...] = lax.dot_general(
        aggr, w_ref[...], (((1,), (1,)), ((), ())),
        preferred_element_type=jnp.float32) + b_ref[...]


def _update(deg, p0, p1, W, b2):
    return pl.pallas_call(
        _update_body,
        out_shape=jax.ShapeDtypeStruct((NPAD, D), jnp.float32),
    )(deg, p0, p1, W, b2)


def kernel(node_embed, edges, W, b):
    src = edges[:, 0]
    dst = edges[:, 1]
    pad = E_PAD - E
    src_p = jnp.concatenate(
        [src, jnp.zeros((pad,), jnp.int32)]).reshape(NW, G, K)
    dst_p = jnp.concatenate(
        [dst, jnp.full((pad,), PAD_ROW, jnp.int32)]).reshape(NW, G, K)
    zeros_nd = jnp.zeros((NPAD, D), jnp.float32)
    iota_nb = jnp.arange(NB, dtype=jnp.int32)
    x_pad = jnp.concatenate(
        [node_embed, jnp.zeros((NPAD - N, D), jnp.float32)])

    zeros_nb = jnp.zeros((NB, W128), jnp.float32)
    deg = _deg_kernel(dst_p, iota_nb, zeros_nb)
    y = _scale(deg, x_pad)
    dst_p4 = dst_p.reshape(NW, G, 1, K)
    parts = _aggr_kernel(y, src_p, dst_p4, zeros_nd)
    out = _update(deg, parts[0], parts[1], W, b.reshape(1, D))
    return out[:N]

# --- scband reference (transcript-rebuilt; emitter-appended) ---
"""Pipeline reference for scband-gcnlayer-75917841924440 (READ-ONLY COPY).

The authoritative reference and input builder live on the scoring server;
editing this copy changes nothing except your own understanding.
"""

import jax, jax.numpy as jnp
import numpy as np

N = 10000
E = 320000
D = 128

def setup_inputs(seed: int = 0) -> dict:
    key = jax.random.key(seed)
    k1, k2, k3, k4 = jax.random.split(key, 4)
    node_embed = jax.random.normal(k1, (N, D), dtype=jnp.float32)
    edges = jax.random.randint(k2, (E, 2), 0, N, dtype=jnp.int32)
    # learned params of nn.Linear(in_channels=128, out_channels=128)
    bound = 1.0 / np.sqrt(D)
    W = jax.random.uniform(k3, (D, D), dtype=jnp.float32, minval=-bound, maxval=bound)
    b = jax.random.uniform(k4, (D,), dtype=jnp.float32, minval=-bound, maxval=bound)
    return {"node_embed": node_embed, "edges": edges, "W": W, "b": b}

def reference(node_embed, edges, W, b):
    # GCN message passing with aggr='add':
    #   norm = deg(dst)^-1/2 * deg(src)^-1/2
    #   message: x_j * norm ; aggregate: scatter-add onto dst ; update: Linear
    src = edges[:, 0]
    dst = edges[:, 1]
    ones = jnp.ones((E,), dtype=jnp.float32)
    deg = jax.ops.segment_sum(ones, dst, num_segments=N)
    deg = jnp.maximum(deg, 1.0)
    dinv = jax.lax.rsqrt(deg)
    norm = dinv[src] * dinv[dst]
    x_j = jnp.take(node_embed, src, axis=0)
    msg = norm[:, None] * x_j
    aggr = jax.ops.segment_sum(msg, dst, num_segments=N)
    out = aggr @ W.T + b
    return out

if __name__ == "__main__":
    import jax
    _d = setup_inputs()
    print(jax.jit(kernel)(*tuple(_d.values())))

</pallas_src>

<mosaic_0001>
#map = affine_map<(d0, d1) -> (0, 0, 0)>
#map1 = affine_map<(d0, d1) -> (0)>
#map2 = affine_map<(d0, d1) -> (0, 0)>
module attributes {stable_mosaic.version = 14 : i64} {
  func.func @_deg_kernel(%arg0: i32, %arg1: i32, %arg2: memref<32x79x128xi32, #tpu.memory_space<hbm>>, %arg3: memref<79xi32, #tpu.memory_space<hbm>>, %arg4: memref<79x128xf32, #tpu.memory_space<hbm>>, %arg5: memref<2x79x128xf32, #tpu.memory_space<hbm>>, %arg6: memref<79x128xi32, #tpu.memory_space<vmem>>, %arg7: memref<79x128xf32, #tpu.memory_space<vmem>>, %arg8: memref<79xi32, #tpu.memory_space<vmem>>, %arg9: memref<79x128xf32, #tpu.memory_space<vmem_shared>>) attributes {dimension_semantics = [#tpu.dimension_semantics<core_parallel>, #tpu.dimension_semantics<subcore_parallel>], iteration_bounds = array<i64: 2, 16>, scalar_prefetch = 0 : i64, scratch_operands = 4 : i64, tpu.core_type = #tpu.core_type<sc_vector_subcore>, window_params = [{transform_indices = #map}, {transform_indices = #map1}, {transform_indices = #map2}, {transform_indices = #map}]} {
    %mul3A = arith.constant 16 : i32
    %mul3A_0 = arith.muli %arg0, %mul3A : i32
    %add3A = arith.addi %mul3A_0, %arg1 : i32
    %eq3A = arith.constant 0 : i32
    %eq3A_1 = arith.cmpi eq, %arg1, %eq3A : i32
    %convert_element_type3A = arith.extui %eq3A_1 : i1 to i32
    %cond3A = arith.constant 0 : i32
    %cond3A_2 = arith.cmpi ne, %convert_element_type3A, %cond3A : i32
    scf.if %cond3A_2 {
      "tpu.region"() ({
        %run_scoped3A = tpu.sem_alloc : memref<!tpu.dma_semaphore, #tpu.memory_space<semaphore_mem>>
        tpu.enqueue_dma source(%arg4 : memref<79x128xf32, #tpu.memory_space<hbm>>) target(%arg9 : memref<79x128xf32, #tpu.memory_space<vmem_shared>>) target_semaphore(%run_scoped3A : memref<!tpu.dma_semaphore, #tpu.memory_space<semaphore_mem>>)
        tpu.wait_dma2 semaphore(%run_scoped3A : memref<!tpu.dma_semaphore, #tpu.memory_space<semaphore_mem>>) src(%arg4 : memref<79x128xf32, #tpu.memory_space<hbm>>) dst(%arg9 : memref<79x128xf32, #tpu.memory_space<vmem_shared>>)
        tpu.yield
      }) : () -> ()
    } else {
    }
    "tpu.region"() ({
      %run_scoped3A = tpu.sem_alloc : memref<!tpu.dma_semaphore, #tpu.memory_space<semaphore_mem>>
      %dma_start3A = arith.constant 0 : i32
      %dma_start3A_19 = arith.constant 0 : i32
      %dma_start3A_20 = tpu.memref_slice %arg2[%add3A, %dma_start3A, %dma_start3A_19] : memref<32x79x128xi32, #tpu.memory_space<hbm>> -> memref<1x79x128xi32, #tpu.memory_space<hbm>>
      %dma_start3A_21 = tpu.memref_squeeze %dma_start3A_20 : memref<1x79x128xi32, #tpu.memory_space<hbm>> -> memref<79x128xi32, #tpu.memory_space<hbm>>
      %dma_start3A_22 = arith.constant 0 : i32
      %dma_start3A_23 = arith.constant 0 : i32
      %dma_start3A_24 = tpu.memref_slice %arg2[%add3A, %dma_start3A_22, %dma_start3A_23] : memref<32x79x128xi32, #tpu.memory_space<hbm>> -> memref<1x79x128xi32, #tpu.memory_space<hbm>>
      %dma_start3A_25 = tpu.memref_squeeze %dma_start3A_24 : memref<1x79x128xi32, #tpu.memory_space<hbm>> -> memref<79x128xi32, #tpu.memory_space<hbm>>
      tpu.enqueue_dma source(%dma_start3A_25 : memref<79x128xi32, #tpu.memory_space<hbm>>) target(%arg6 : memref<79x128xi32, #tpu.memory_space<vmem>>) target_semaphore(%run_scoped3A : memref<!tpu.dma_semaphore, #tpu.memory_space<semaphore_mem>>)
      %dma_wait3A = arith.constant 0 : i32
      %dma_wait3A_26 = arith.constant 0 : i32
      %dma_wait3A_27 = tpu.memref_slice %arg2[%add3A, %dma_wait3A, %dma_wait3A_26] : memref<32x79x128xi32, #tpu.memory_space<hbm>> -> memref<1x79x128xi32, #tpu.memory_space<hbm>>
      %dma_wait3A_28 = tpu.memref_squeeze %dma_wait3A_27 : memref<1x79x128xi32, #tpu.memory_space<hbm>> -> memref<79x128xi32, #tpu.memory_space<hbm>>
      %dma_wait3A_29 = arith.constant 0 : i32
      %dma_wait3A_30 = arith.constant 0 : i32
      %dma_wait3A_31 = tpu.memref_slice %arg2[%add3A, %dma_wait3A_29, %dma_wait3A_30] : memref<32x79x128xi32, #tpu.memory_space<hbm>> -> memref<1x79x128xi32, #tpu.memory_space<hbm>>
      %dma_wait3A_32 = tpu.memref_squeeze %dma_wait3A_31 : memref<1x79x128xi32, #tpu.memory_space<hbm>> -> memref<79x128xi32, #tpu.memory_space<hbm>>
      tpu.wait_dma2 semaphore(%run_scoped3A : memref<!tpu.dma_semaphore, #tpu.memory_space<semaphore_mem>>) src(%dma_wait3A_32 : memref<79x128xi32, #tpu.memory_space<hbm>>) dst(%arg6 : memref<79x128xi32, #tpu.memory_space<vmem>>)
      tpu.yield
    }) : () -> ()
    "tpu.region"() ({
      %run_scoped3A = tpu.sem_alloc : memref<!tpu.dma_semaphore, #tpu.memory_space<semaphore_mem>>
      tpu.enqueue_dma source(%arg3 : memref<79xi32, #tpu.memory_space<hbm>>) target(%arg8 : memref<79xi32, #tpu.memory_space<vmem>>) target_semaphore(%run_scoped3A : memref<!tpu.dma_semaphore, #tpu.memory_space<semaphore_mem>>)
      tpu.wait_dma2 semaphore(%run_scoped3A : memref<!tpu.dma_semaphore, #tpu.memory_space<semaphore_mem>>) src(%arg3 : memref<79xi32, #tpu.memory_space<hbm>>) dst(%arg8 : memref<79xi32, #tpu.memory_space<vmem>>)
      tpu.yield
    }) : () -> ()
    %scan3A = arith.constant 0 : i32
    %scan3A_3 = arith.constant 79 : i32
    %scan3A_4 = arith.addi %scan3A, %scan3A_3 : i32
    %scan3A_5 = arith.constant 1 : i32
    scf.for %scan3A_19 = %scan3A to %scan3A_4 step %scan3A_5  : i32 {
      %mul3A_20 = arith.constant 1 : i32
      %mul3A_21 = arith.muli %scan3A_19, %mul3A_20 : i32
      %add3A_22 = arith.constant 0 : i32
      %add3A_23 = arith.addi %add3A_22, %mul3A_21 : i32
      %scan3A_24 = arith.constant 0 : i32
      %scan3A_25 = arith.constant 8 : i32
      %scan3A_26 = arith.addi %scan3A_24, %scan3A_25 : i32
      %scan3A_27 = arith.constant 1 : i32
      scf.for %scan3A_29 = %scan3A_24 to %scan3A_26 step %scan3A_27  : i32 {
        %mul3A_30 = arith.constant 1 : i32
        %mul3A_31 = arith.muli %scan3A_29, %mul3A_30 : i32
        %add3A_32 = arith.constant 0 : i32
        %add3A_33 = arith.addi %add3A_32, %mul3A_31 : i32
        %broadcast_in_dim3A_34 = arith.constant 0.000000e+00 : f32
        %broadcast_in_dim3A_35 = vector.broadcast %broadcast_in_dim3A_34 : f32 to vector<16xf32>
        %mul3A_36 = arith.constant 16 : i32
        %mul3A_37 = arith.muli %add3A_33, %mul3A_36 : i32
        %swap3A = arith.index_cast %add3A_23 : i32 to index
        %swap3A_38 = arith.index_cast %mul3A_37 : i32 to index
        %swap3A_39 = tpu.vector_load %arg7[%swap3A, %swap3A_38] {strides = array<i32>} : memref<79x128xf32, #tpu.memory_space<vmem>>, vector<16xf32>,
        tpu.vector_store %arg7[%swap3A, %swap3A_38], %broadcast_in_dim3A_35 {strides = array<i32>} : memref<79x128xf32, #tpu.memory_space<vmem>>, vector<16xf32>,
      }
      %scan3A_28 = arith.constant 8 : i32
    }
    %scan3A_6 = arith.constant 79 : i32
    %broadcast_in_dim3A = arith.constant 1.000000e+00 : f32
    %broadcast_in_dim3A_7 = vector.broadcast %broadcast_in_dim3A : f32 to vector<16xf32>
    %scan3A_8 = arith.constant 0 : i32
    %scan3A_9 = arith.constant 79 : i32
    %scan3A_10 = arith.addi %scan3A_8, %scan3A_9 : i32
    %scan3A_11 = arith.constant 1 : i32
    scf.for %scan3A_19 = %scan3A_8 to %scan3A_10 step %scan3A_11  : i32 {
      %mul3A_20 = arith.constant 1 : i32
      %mul3A_21 = arith.muli %scan3A_19, %mul3A_20 : i32
      %add3A_22 = arith.constant 0 : i32
      %add3A_23 = arith.addi %add3A_22, %mul3A_21 : i32
      %scan3A_24 = arith.constant 0 : i32
      %scan3A_25 = arith.constant 8 : i32
      %scan3A_26 = arith.addi %scan3A_24, %scan3A_25 : i32
      %scan3A_27 = arith.constant 1 : i32
      scf.for %scan3A_29 = %scan3A_24 to %scan3A_26 step %scan3A_27  : i32 {
        %mul3A_30 = arith.constant 1 : i32
        %mul3A_31 = arith.muli %scan3A_29, %mul3A_30 : i32
        %add3A_32 = arith.constant 0 : i32
        %add3A_33 = arith.addi %add3A_32, %mul3A_31 : i32
        %mul3A_34 = arith.constant 16 : i32
        %mul3A_35 = arith.muli %add3A_33, %mul3A_34 : i32
        %get3A = arith.index_cast %add3A_23 : i32 to index
        %get3A_36 = arith.index_cast %mul3A_35 : i32 to index
        %get3A_37 = tpu.vector_load %arg6[%get3A, %get3A_36] {strides = array<i32>} : memref<79x128xi32, #tpu.memory_space<vmem>>, vector<16xi32>,
        %shift_right_arithmetic3A = arith.constant 7 : i32
        %shift_right_arithmetic3A_38 = vector.broadcast %shift_right_arithmetic3A : i32 to vector<16xi32>
        %shift_right_arithmetic3A_39 = arith.shrsi %get3A_37, %shift_right_arithmetic3A_38 : vector<16xi32>
        %and3A = arith.constant 127 : i32
        %and3A_40 = vector.broadcast %and3A : i32 to vector<16xi32>
        %and3A_41 = arith.andi %get3A_37, %and3A_40 : vector<16xi32>
        tpu.vector_store_idx %arg7[%shift_right_arithmetic3A_39, %and3A_41], %broadcast_in_dim3A_7 {add = true} : memref<79x128xf32, #tpu.memory_space<vmem>>[vector<16xi32>, vector<16xi32>], vector<16xf32>,
      }
      %scan3A_28 = arith.constant 8 : i32
    }
    %scan3A_12 = arith.constant 79 : i32
    %barrier3A = arith.constant 0 : index
    tpu.barrier barrier_id(%barrier3A)
    "tpu.region"() ({
      %run_scoped3A = tpu.sem_alloc : memref<!tpu.dma_semaphore, #tpu.memory_space<semaphore_mem>>
      %dma_start3A = arith.constant 0 : i32
      %dma_start3A_19 = arith.constant 0 : i32
      %dma_start3A_20 = tpu.memref_slice %arg9[%dma_start3A, %dma_start3A_19] : memref<79x128xf32, #tpu.memory_space<vmem_shared>> -> memref<79x128xf32, #tpu.memory_space<vmem_shared>>
      tpu.enqueue_indirect_dma source(%arg7 : memref<79x128xf32, #tpu.memory_space<vmem>>) target(%dma_start3A_20 : memref<79x128xf32, #tpu.memory_space<vmem_shared>>) offsets(%arg8 : memref<79xi32, #tpu.memory_space<vmem>>) semaphore(%run_scoped3A : memref<!tpu.dma_semaphore, #tpu.memory_space<semaphore_mem>>) {add = true}
      %dma_wait3A = arith.constant 0 : i32
      %dma_wait3A_21 = arith.constant 0 : i32
      %dma_wait3A_22 = tpu.memref_slice %arg9[%dma_wait3A, %dma_wait3A_21] : memref<79x128xf32, #tpu.memory_space<vmem_shared>> -> memref<79x128xf32, #tpu.memory_space<vmem_shared>>
      tpu.wait_indirect_dma semaphore(%run_scoped3A : memref<!tpu.dma_semaphore, #tpu.memory_space<semaphore_mem>>) src(%arg7 : memref<79x128xf32, #tpu.memory_space<vmem>>) dst(%dma_wait3A_22 : memref<79x128xf32, #tpu.memory_space<vmem_shared>>)
      tpu.yield
    }) : () -> ()
    %barrier3A_13 = arith.constant 0 : index
    tpu.barrier barrier_id(%barrier3A_13)
    %eq3A_14 = arith.constant 0 : i32
    %eq3A_15 = arith.cmpi eq, %arg1, %eq3A_14 : i32
    %convert_element_type3A_16 = arith.extui %eq3A_15 : i1 to i32
    %cond3A_17 = arith.constant 0 : i32
    %cond3A_18 = arith.cmpi ne, %convert_element_type3A_16, %cond3A_17 : i32
    scf.if %cond3A_18 {
      "tpu.region"() ({
        %run_scoped3A = tpu.sem_alloc : memref<!tpu.dma_semaphore, #tpu.memory_space<semaphore_mem>>
        %dma_start3A = arith.constant 0 : i32
        %dma_start3A_19 = arith.constant 0 : i32
        %dma_start3A_20 = tpu.memref_slice %arg5[%arg0, %dma_start3A, %dma_start3A_19] : memref<2x79x128xf32, #tpu.memory_space<hbm>> -> memref<1x79x128xf32, #tpu.memory_space<hbm>>
        %dma_start3A_21 = tpu.memref_squeeze %dma_start3A_20 : memref<1x79x128xf32, #tpu.memory_space<hbm>> -> memref<79x128xf32, #tpu.memory_space<hbm>>
        tpu.enqueue_dma source(%arg9 : memref<79x128xf32, #tpu.memory_space<vmem_shared>>) target(%dma_start3A_21 : memref<79x128xf32, #tpu.memory_space<hbm>>) target_semaphore(%run_scoped3A : memref<!tpu.dma_semaphore, #tpu.memory_space<semaphore_mem>>)
        %dma_wait3A = arith.constant 0 : i32
        %dma_wait3A_22 = arith.constant 0 : i32
        %dma_wait3A_23 = tpu.memref_slice %arg5[%arg0, %dma_wait3A, %dma_wait3A_22] : memref<2x79x128xf32, #tpu.memory_space<hbm>> -> memref<1x79x128xf32, #tpu.memory_space<hbm>>
        %dma_wait3A_24 = tpu.memref_squeeze %dma_wait3A_23 : memref<1x79x128xf32, #tpu.memory_space<hbm>> -> memref<79x128xf32, #tpu.memory_space<hbm>>
        tpu.wait_dma2 semaphore(%run_scoped3A : memref<!tpu.dma_semaphore, #tpu.memory_space<semaphore_mem>>) src(%arg9 : memref<79x128xf32, #tpu.memory_space<vmem_shared>>) dst(%dma_wait3A_24 : memref<79x128xf32, #tpu.memory_space<hbm>>)
        tpu.yield
      }) : () -> ()
    } else {
    }
    return
  }
}

#map = affine_map<(d0, d1) -> (0, 0, 0)>
#map1 = affine_map<(d0, d1) -> (0, 0, 0, 0)>
#map2 = affine_map<(d0, d1) -> (0, 0)>
module attributes {stable_mosaic.version = 14 : i64} {
  func.func @_aggr_kernel(%arg0: i32, %arg1: i32, %arg2: memref<2x10112x128xf32, #tpu.memory_space<hbm>>, %arg3: memref<32x79x128xi32, #tpu.memory_space<hbm>>, %arg4: memref<32x79x1x128xi32, #tpu.memory_space<hbm>>, %arg5: memref<10112x128xf32, #tpu.memory_space<hbm>>, %arg6: memref<2x10112x128xf32, #tpu.memory_space<hbm>>, %arg7: memref<79x128xi32, #tpu.memory_space<vmem>>, %arg8: memref<2x1x128xi32, #tpu.memory_space<vmem>>, %arg9: memref<2x128x128xf32, #tpu.memory_space<vmem>>, %arg10: memref<10112x128xf32, #tpu.memory_space<vmem_shared>>, %arg11: memref<2x!tpu.dma_semaphore, #tpu.memory_space<semaphore_mem>>, %arg12: memref<2x!tpu.dma_semaphore, #tpu.memory_space<semaphore_mem>>) attributes {dimension_semantics = [#tpu.dimension_semantics<core_parallel>, #tpu.dimension_semantics<subcore_parallel>], iteration_bounds = array<i64: 2, 16>, scalar_prefetch = 0 : i64, scratch_operands = 6 : i64, tpu.core_type = #tpu.core_type<sc_vector_subcore>, window_params = [{transform_indices = #map}, {transform_indices = #map}, {transform_indices = #map1}, {transform_indices = #map2}, {transform_indices = #map}]} {
    %mul3A = arith.constant 16 : i32
    %mul3A_0 = arith.muli %arg0, %mul3A : i32
    %add3A = arith.addi %mul3A_0, %arg1 : i32
    %mul3A_1 = arith.constant 632 : i32
    %mul3A_2 = arith.muli %arg1, %mul3A_1 : i32
    %mul3A_3 = arith.constant 632 : i32
    %mul3A_4 = arith.muli %arg1, %mul3A_3 : i32
    "tpu.region"() ({
      %run_scoped3A = tpu.sem_alloc : memref<!tpu.dma_semaphore, #tpu.memory_space<semaphore_mem>>
      %dma_start3A_74 = arith.constant 0 : i32
      %dma_start3A_75 = tpu.memref_slice %arg10[%mul3A_4, %dma_start3A_74] : memref<10112x128xf32, #tpu.memory_space<vmem_shared>> -> memref<632x128xf32, #tpu.memory_space<vmem_shared>>
      %dma_start3A_76 = arith.constant 0 : i32
      %dma_start3A_77 = tpu.memref_slice %arg5[%mul3A_2, %dma_start3A_76] : memref<10112x128xf32, #tpu.memory_space<hbm>> -> memref<632x128xf32, #tpu.memory_space<hbm>>
      tpu.enqueue_dma source(%dma_start3A_77 : memref<632x128xf32, #tpu.memory_space<hbm>>) target(%dma_start3A_75 : memref<632x128xf32, #tpu.memory_space<vmem_shared>>) target_semaphore(%run_scoped3A : memref<!tpu.dma_semaphore, #tpu.memory_space<semaphore_mem>>)
      %dma_wait3A = arith.constant 0 : i32
      %dma_wait3A_78 = tpu.memref_slice %arg10[%mul3A_4, %dma_wait3A] : memref<10112x128xf32, #tpu.memory_space<vmem_shared>> -> memref<632x128xf32, #tpu.memory_space<vmem_shared>>
      %dma_wait3A_79 = arith.constant 0 : i32
      %dma_wait3A_80 = tpu.memref_slice %arg5[%mul3A_2, %dma_wait3A_79] : memref<10112x128xf32, #tpu.memory_space<hbm>> -> memref<632x128xf32, #tpu.memory_space<hbm>>
      tpu.wait_dma2 semaphore(%run_scoped3A : memref<!tpu.dma_semaphore, #tpu.memory_space<semaphore_mem>>) src(%dma_wait3A_80 : memref<632x128xf32, #tpu.memory_space<hbm>>) dst(%dma_wait3A_78 : memref<632x128xf32, #tpu.memory_space<vmem_shared>>)
      tpu.yield
    }) : () -> ()
    "tpu.region"() ({
      %run_scoped3A = tpu.sem_alloc : memref<!tpu.dma_semaphore, #tpu.memory_space<semaphore_mem>>
      %dma_start3A_74 = arith.constant 0 : i32
      %dma_start3A_75 = arith.constant 0 : i32
      %dma_start3A_76 = tpu.memref_slice %arg3[%add3A, %dma_start3A_74, %dma_start3A_75] : memref<32x79x128xi32, #tpu.memory_space<hbm>> -> memref<1x79x128xi32, #tpu.memory_space<hbm>>
      %dma_start3A_77 = tpu.memref_squeeze %dma_start3A_76 : memref<1x79x128xi32, #tpu.memory_space<hbm>> -> memref<79x128xi32, #tpu.memory_space<hbm>>
      %dma_start3A_78 = arith.constant 0 : i32
      %dma_start3A_79 = arith.constant 0 : i32
      %dma_start3A_80 = tpu.memref_slice %arg3[%add3A, %dma_start3A_78, %dma_start3A_79] : memref<32x79x128xi32, #tpu.memory_space<hbm>> -> memref<1x79x128xi32, #tpu.memory_space<hbm>>
      %dma_start3A_81 = tpu.memref_squeeze %dma_start3A_80 : memref<1x79x128xi32, #tpu.memory_space<hbm>> -> memref<79x128xi32, #tpu.memory_space<hbm>>
      tpu.enqueue_dma source(%dma_start3A_81 : memref<79x128xi32, #tpu.memory_space<hbm>>) target(%arg7 : memref<79x128xi32, #tpu.memory_space<vmem>>) target_semaphore(%run_scoped3A : memref<!tpu.dma_semaphore, #tpu.memory_space<semaphore_mem>>)
      %dma_wait3A = arith.constant 0 : i32
      %dma_wait3A_82 = arith.constant 0 : i32
      %dma_wait3A_83 = tpu.memref_slice %arg3[%add3A, %dma_wait3A, %dma_wait3A_82] : memref<32x79x128xi32, #tpu.memory_space<hbm>> -> memref<1x79x128xi32, #tpu.memory_space<hbm>>
      %dma_wait3A_84 = tpu.memref_squeeze %dma_wait3A_83 : memref<1x79x128xi32, #tpu.memory_space<hbm>> -> memref<79x128xi32, #tpu.memory_space<hbm>>
      %dma_wait3A_85 = arith.constant 0 : i32
      %dma_wait3A_86 = arith.constant 0 : i32
      %dma_wait3A_87 = tpu.memref_slice %arg3[%add3A, %dma_wait3A_85, %dma_wait3A_86] : memref<32x79x128xi32, #tpu.memory_space<hbm>> -> memref<1x79x128xi32, #tpu.memory_space<hbm>>
      %dma_wait3A_88 = tpu.memref_squeeze %dma_wait3A_87 : memref<1x79x128xi32, #tpu.memory_space<hbm>> -> memref<79x128xi32, #tpu.memory_space<hbm>>
      tpu.wait_dma2 semaphore(%run_scoped3A : memref<!tpu.dma_semaphore, #tpu.memory_space<semaphore_mem>>) src(%dma_wait3A_88 : memref<79x128xi32, #tpu.memory_space<hbm>>) dst(%arg7 : memref<79x128xi32, #tpu.memory_space<vmem>>)
      tpu.yield
    }) : () -> ()
    %barrier3A = arith.constant 0 : index
    tpu.barrier barrier_id(%barrier3A)
    %dma_start3A = arith.constant 0 : i32
    %dma_start3A_5 = arith.constant 0 : i32
    %dma_start3A_6 = arith.constant 0 : i32
    %dma_start3A_7 = arith.constant 0 : i32
    %dma_start3A_8 = arith.constant 0 : i32
    %dma_start3A_9 = tpu.memref_slice %arg8[%dma_start3A_5, %dma_start3A_7, %dma_start3A_8] : memref<2x1x128xi32, #tpu.memory_space<vmem>> -> memref<1x1x128xi32, #tpu.memory_space<vmem>>
    %dma_start3A_10 = tpu.memref_squeeze %dma_start3A_9 : memref<1x1x128xi32, #tpu.memory_space<vmem>> -> memref<1x128xi32, #tpu.memory_space<vmem>>
    %dma_start3A_11 = arith.constant 0 : i32
    %dma_start3A_12 = arith.constant 0 : i32
    %dma_start3A_13 = tpu.memref_slice %arg4[%add3A, %dma_start3A, %dma_start3A_11, %dma_start3A_12] : memref<32x79x1x128xi32, #tpu.memory_space<hbm>> -> memref<1x1x1x128xi32, #tpu.memory_space<hbm>>
    %dma_start3A_14 = tpu.memref_squeeze %dma_start3A_13 : memref<1x1x1x128xi32, #tpu.memory_space<hbm>> -> memref<1x128xi32, #tpu.memory_space<hbm>>
    %dma_start3A_15 = tpu.memref_slice %arg12[%dma_start3A_6] : memref<2x!tpu.dma_semaphore, #tpu.memory_space<semaphore_mem>> -> memref<1x!tpu.dma_semaphore, #tpu.memory_space<semaphore_mem>>
    %dma_start3A_16 = tpu.memref_squeeze %dma_start3A_15 : memref<1x!tpu.dma_semaphore, #tpu.memory_space<semaphore_mem>> -> memref<!tpu.dma_semaphore, #tpu.memory_space<semaphore_mem>>
    %dma_start3A_17 = arith.constant 0 : i32
    %dma_start3A_18 = arith.constant 0 : i32
    %dma_start3A_19 = tpu.memref_slice %arg8[%dma_start3A_5, %dma_start3A_17, %dma_start3A_18] : memref<2x1x128xi32, #tpu.memory_space<vmem>> -> memref<1x1x128xi32, #tpu.memory_space<vmem>>
    %dma_start3A_20 = tpu.memref_squeeze %dma_start3A_19 : memref<1x1x128xi32, #tpu.memory_space<vmem>> -> memref<1x128xi32, #tpu.memory_space<vmem>>
    %dma_start3A_21 = arith.constant 0 : i32
    %dma_start3A_22 = arith.constant 0 : i32
    %dma_start3A_23 = tpu.memref_slice %arg4[%add3A, %dma_start3A, %dma_start3A_21, %dma_start3A_22] : memref<32x79x1x128xi32, #tpu.memory_space<hbm>> -> memref<1x1x1x128xi32, #tpu.memory_space<hbm>>
    %dma_start3A_24 = tpu.memref_squeeze %dma_start3A_23 : memref<1x1x1x128xi32, #tpu.memory_space<hbm>> -> memref<1x128xi32, #tpu.memory_space<hbm>>
    tpu.enqueue_dma source(%dma_start3A_24 : memref<1x128xi32, #tpu.memory_space<hbm>>) target(%dma_start3A_20 : memref<1x128xi32, #tpu.memory_space<vmem>>) target_semaphore(%dma_start3A_16 : memref<!tpu.dma_semaphore, #tpu.memory_space<semaphore_mem>>)
    %dma_start3A_25 = arith.constant 1 : i32
    %dma_start3A_26 = arith.constant 1 : i32
    %dma_start3A_27 = arith.constant 1 : i32
    %dma_start3A_28 = arith.constant 0 : i32
    %dma_start3A_29 = arith.constant 0 : i32
    %dma_start3A_30 = tpu.memref_slice %arg8[%dma_start3A_26, %dma_start3A_28, %dma_start3A_29] : memref<2x1x128xi32, #tpu.memory_space<vmem>> -> memref<1x1x128xi32, #tpu.memory_space<vmem>>
    %dma_start3A_31 = tpu.memref_squeeze %dma_start3A_30 : memref<1x1x128xi32, #tpu.memory_space<vmem>> -> memref<1x128xi32, #tpu.memory_space<vmem>>
    %dma_start3A_32 = arith.constant 0 : i32
    %dma_start3A_33 = arith.constant 0 : i32
    %dma_start3A_34 = tpu.memref_slice %arg4[%add3A, %dma_start3A_25, %dma_start3A_32, %dma_start3A_33] : memref<32x79x1x128xi32, #tpu.memory_space<hbm>> -> memref<1x1x1x128xi32, #tpu.memory_space<hbm>>
    %dma_start3A_35 = tpu.memref_squeeze %dma_start3A_34 : memref<1x1x1x128xi32, #tpu.memory_space<hbm>> -> memref<1x128xi32, #tpu.memory_space<hbm>>
    %dma_start3A_36 = tpu.memref_slice %arg12[%dma_start3A_27] : memref<2x!tpu.dma_semaphore, #tpu.memory_space<semaphore_mem>> -> memref<1x!tpu.dma_semaphore, #tpu.memory_space<semaphore_mem>>
    %dma_start3A_37 = tpu.memref_squeeze %dma_start3A_36 : memref<1x!tpu.dma_semaphore, #tpu.memory_space<semaphore_mem>> -> memref<!tpu.dma_semaphore, #tpu.memory_space<semaphore_mem>>
    %dma_start3A_38 = arith.constant 0 : i32
    %dma_start3A_39 = arith.constant 0 : i32
    %dma_start3A_40 = tpu.memref_slice %arg8[%dma_start3A_26, %dma_start3A_38, %dma_start3A_39] : memref<2x1x128xi32, #tpu.memory_space<vmem>> -> memref<1x1x128xi32, #tpu.memory_space<vmem>>
    %dma_start3A_41 = tpu.memref_squeeze %dma_start3A_40 : memref<1x1x128xi32, #tpu.memory_space<vmem>> -> memref<1x128xi32, #tpu.memory_space<vmem>>
    %dma_start3A_42 = arith.constant 0 : i32
    %dma_start3A_43 = arith.constant 0 : i32
    %dma_start3A_44 = tpu.memref_slice %arg4[%add3A, %dma_start3A_25, %dma_start3A_42, %dma_start3A_43] : memref<32x79x1x128xi32, #tpu.memory_space<hbm>> -> memref<1x1x1x128xi32, #tpu.memory_space<hbm>>
    %dma_start3A_45 = tpu.memref_squeeze %dma_start3A_44 : memref<1x1x1x128xi32, #tpu.memory_space<hbm>> -> memref<1x128xi32, #tpu.memory_space<hbm>>
    tpu.enqueue_dma source(%dma_start3A_45 : memref<1x128xi32, #tpu.memory_space<hbm>>) target(%dma_start3A_41 : memref<1x128xi32, #tpu.memory_space<vmem>>) target_semaphore(%dma_start3A_37 : memref<!tpu.dma_semaphore, #tpu.memory_space<semaphore_mem>>)
    %dma_start3A_46 = arith.constant 0 : i32
    %dma_start3A_47 = arith.constant 0 : i32
    %dma_start3A_48 = arith.constant 0 : i32
    %dma_start3A_49 = arith.constant 0 : i32
    %dma_start3A_50 = arith.constant 0 : i32
    %dma_start3A_51 = tpu.memref_slice %arg9[%dma_start3A_47, %dma_start3A_49, %dma_start3A_50] : memref<2x128x128xf32, #tpu.memory_space<vmem>> -> memref<1x128x128xf32, #tpu.memory_space<vmem>>
    %dma_start3A_52 = tpu.memref_squeeze %dma_start3A_51 : memref<1x128x128xf32, #tpu.memory_space<vmem>> -> memref<128x128xf32, #tpu.memory_space<vmem>>
    %dma_start3A_53 = arith.constant 0 : i32
    %dma_start3A_54 = tpu.memref_slice %arg7[%dma_start3A_46, %dma_start3A_53] : memref<79x128xi32, #tpu.memory_space<vmem>> -> memref<1x128xi32, #tpu.memory_space<vmem>>
    %dma_start3A_55 = tpu.memref_squeeze %dma_start3A_54 : memref<1x128xi32, #tpu.memory_space<vmem>> -> memref<128xi32, #tpu.memory_space<vmem>>
    %dma_start3A_56 = arith.constant 0 : i32
    %dma_start3A_57 = arith.constant 0 : i32
    %dma_start3A_58 = tpu.memref_slice %arg2[%arg0, %dma_start3A_56, %dma_start3A_57] : memref<2x10112x128xf32, #tpu.memory_space<hbm>> -> memref<1x10112x128xf32, #tpu.memory_space<hbm>>
    %dma_start3A_59 = tpu.memref_squeeze %dma_start3A_58 : memref<1x10112x128xf32, #tpu.memory_space<hbm>> -> memref<10112x128xf32, #tpu.memory_space<hbm>>
    %dma_start3A_60 = arith.constant 0 : i32
    %dma_start3A_61 = arith.constant 0 : i32
    %dma_start3A_62 = tpu.memref_slice %dma_start3A_59[%dma_start3A_60, %dma_start3A_61] : memref<10112x128xf32, #tpu.memory_space<hbm>> -> memref<10112x128xf32, #tpu.memory_space<hbm>>
    %dma_start3A_63 = tpu.memref_slice %arg11[%dma_start3A_48] : memref<2x!tpu.dma_semaphore, #tpu.memory_space<semaphore_mem>> -> memref<1x!tpu.dma_semaphore, #tpu.memory_space<semaphore_mem>>
    %dma_start3A_64 = tpu.memref_squeeze %dma_start3A_63 : memref<1x!tpu.dma_semaphore, #tpu.memory_space<semaphore_mem>> -> memref<!tpu.dma_semaphore, #tpu.memory_space<semaphore_mem>>
    tpu.enqueue_indirect_dma source(%dma_start3A_62 : memref<10112x128xf32, #tpu.memory_space<hbm>>) target(%dma_start3A_52 : memref<128x128xf32, #tpu.memory_space<vmem>>) offsets(%dma_start3A_55 : memref<128xi32, #tpu.memory_space<vmem>>) semaphore(%dma_start3A_64 : memref<!tpu.dma_semaphore, #tpu.memory_space<semaphore_mem>>)
    %scan3A = arith.constant 0 : i32
    %scan3A_65 = arith.constant 79 : i32
    %scan3A_66 = arith.addi %scan3A, %scan3A_65 : i32
    %scan3A_67 = arith.constant 1 : i32
    scf.for %scan3A_74 = %scan3A to %scan3A_66 step %scan3A_67  : i32 {
      %mul3A_75 = arith.constant 1 : i32
      %mul3A_76 = arith.muli %scan3A_74, %mul3A_75 : i32
      %add3A_77 = arith.constant 0 : i32
      %add3A_78 = arith.addi %add3A_77, %mul3A_76 : i32
      %jit3A = arith.constant 2 : i32
      %eq3A = arith.constant 0 : i32
      %eq3A_79 = arith.cmpi eq, %jit3A, %eq3A : i32
      %jit3A_80 = arith.constant 1 : i32
      %select_n3A = arith.select %eq3A_79, %jit3A_80, %jit3A : i32
      %rem3A = arith.remsi %add3A_78, %select_n3A : i32
      %ne3A = arith.constant 0 : i32
      %ne3A_81 = arith.cmpi ne, %rem3A, %ne3A : i32
      %lt3A = arith.constant 0 : i32
      %lt3A_82 = arith.cmpi slt, %rem3A, %lt3A : i32
      %lt3A_83 = arith.constant 0 : i32
      %lt3A_84 = arith.cmpi slt, %select_n3A, %lt3A_83 : i32
      %ne3A_85 = arith.xori %lt3A_82, %lt3A_84 : i1
      %and3A = arith.andi %ne3A_85, %ne3A_81 : i1
      %add3A_86 = arith.addi %rem3A, %select_n3A : i32
      %select_n3A_87 = arith.select %and3A, %add3A_86, %rem3A : i32
      %lt3A_88 = arith.constant 78 : i32
      %lt3A_89 = arith.cmpi slt, %add3A_78, %lt3A_88 : i32
      %convert_element_type3A = arith.extui %lt3A_89 : i1 to i32
      %cond3A = arith.constant 0 : i32
      %cond3A_90 = arith.cmpi ne, %convert_element_type3A, %cond3A : i32
      scf.if %cond3A_90 {
        %add3A_129 = arith.constant 1 : i32
        %add3A_130 = arith.addi %add3A_78, %add3A_129 : i32
        %sub3A = arith.constant 1 : i32
        %sub3A_131 = arith.subi %sub3A, %select_n3A_87 : i32
        %sub3A_132 = arith.constant 1 : i32
        %sub3A_133 = arith.subi %sub3A_132, %select_n3A_87 : i32
        %dma_start3A_134 = arith.constant 0 : i32
        %dma_start3A_135 = arith.constant 0 : i32
        %dma_start3A_136 = tpu.memref_slice %arg9[%sub3A_131, %dma_start3A_134, %dma_start3A_135] : memref<2x128x128xf32, #tpu.memory_space<vmem>> -> memref<1x128x128xf32, #tpu.memory_space<vmem>>
        %dma_start3A_137 = tpu.memref_squeeze %dma_start3A_136 : memref<1x128x128xf32, #tpu.memory_space<vmem>> -> memref<128x128xf32, #tpu.memory_space<vmem>>
        %dma_start3A_138 = arith.constant 0 : i32
        %dma_start3A_139 = tpu.memref_slice %arg7[%add3A_130, %dma_start3A_138] : memref<79x128xi32, #tpu.memory_space<vmem>> -> memref<1x128xi32, #tpu.memory_space<vmem>>
        %dma_start3A_140 = tpu.memref_squeeze %dma_start3A_139 : memref<1x128xi32, #tpu.memory_space<vmem>> -> memref<128xi32, #tpu.memory_space<vmem>>
        %dma_start3A_141 = arith.constant 0 : i32
        %dma_start3A_142 = arith.constant 0 : i32
        %dma_start3A_143 = tpu.memref_slice %arg2[%arg0, %dma_start3A_141, %dma_start3A_142] : memref<2x10112x128xf32, #tpu.memory_space<hbm>> -> memref<1x10112x128xf32, #tpu.memory_space<hbm>>
        %dma_start3A_144 = tpu.memref_squeeze %dma_start3A_143 : memref<1x10112x128xf32, #tpu.memory_space<hbm>> -> memref<10112x128xf32, #tpu.memory_space<hbm>>
        %dma_start3A_145 = arith.constant 0 : i32
        %dma_start3A_146 = arith.constant 0 : i32
        %dma_start3A_147 = tpu.memref_slice %dma_start3A_144[%dma_start3A_145, %dma_start3A_146] : memref<10112x128xf32, #tpu.memory_space<hbm>> -> memref<10112x128xf32, #tpu.memory_space<hbm>>
        %dma_start3A_148 = tpu.memref_slice %arg11[%sub3A_133] : memref<2x!tpu.dma_semaphore, #tpu.memory_space<semaphore_mem>> -> memref<1x!tpu.dma_semaphore, #tpu.memory_space<semaphore_mem>>
        %dma_start3A_149 = tpu.memref_squeeze %dma_start3A_148 : memref<1x!tpu.dma_semaphore, #tpu.memory_space<semaphore_mem>> -> memref<!tpu.dma_semaphore, #tpu.memory_space<semaphore_mem>>
        tpu.enqueue_indirect_dma source(%dma_start3A_147 : memref<10112x128xf32, #tpu.memory_space<hbm>>) target(%dma_start3A_137 : memref<128x128xf32, #tpu.memory_space<vmem>>) offsets(%dma_start3A_140 : memref<128xi32, #tpu.memory_space<vmem>>) semaphore(%dma_start3A_149 : memref<!tpu.dma_semaphore, #tpu.memory_space<semaphore_mem>>)
      } else {
      }
      %dma_wait3A = arith.constant 0 : i32
      %dma_wait3A_91 = arith.constant 0 : i32
      %dma_wait3A_92 = tpu.memref_slice %arg9[%select_n3A_87, %dma_wait3A, %dma_wait3A_91] : memref<2x128x128xf32, #tpu.memory_space<vmem>> -> memref<1x128x128xf32, #tpu.memory_space<vmem>>
      %dma_wait3A_93 = tpu.memref_squeeze %dma_wait3A_92 : memref<1x128x128xf32, #tpu.memory_space<vmem>> -> memref<128x128xf32, #tpu.memory_space<vmem>>
      %dma_wait3A_94 = arith.constant 0 : i32
      %dma_wait3A_95 = tpu.memref_slice %arg7[%add3A_78, %dma_wait3A_94] : memref<79x128xi32, #tpu.memory_space<vmem>> -> memref<1x128xi32, #tpu.memory_space<vmem>>
      %dma_wait3A_96 = tpu.memref_squeeze %dma_wait3A_95 : memref<1x128xi32, #tpu.memory_space<vmem>> -> memref<128xi32, #tpu.memory_space<vmem>>
      %dma_wait3A_97 = arith.constant 0 : i32
      %dma_wait3A_98 = arith.constant 0 : i32
      %dma_wait3A_99 = tpu.memref_slice %arg2[%arg0, %dma_wait3A_97, %dma_wait3A_98] : memref<2x10112x128xf32, #tpu.memory_space<hbm>> -> memref<1x10112x128xf32, #tpu.memory_space<hbm>>
      %dma_wait3A_100 = tpu.memref_squeeze %dma_wait3A_99 : memref<1x10112x128xf32, #tpu.memory_space<hbm>> -> memref<10112x128xf32, #tpu.memory_space<hbm>>
      %dma_wait3A_101 = arith.constant 0 : i32
      %dma_wait3A_102 = arith.constant 0 : i32
      %dma_wait3A_103 = tpu.memref_slice %dma_wait3A_100[%dma_wait3A_101, %dma_wait3A_102] : memref<10112x128xf32, #tpu.memory_space<hbm>> -> memref<10112x128xf32, #tpu.memory_space<hbm>>
      %dma_wait3A_104 = tpu.memref_slice %arg11[%select_n3A_87] : memref<2x!tpu.dma_semaphore, #tpu.memory_space<semaphore_mem>> -> memref<1x!tpu.dma_semaphore, #tpu.memory_space<semaphore_mem>>
      %dma_wait3A_105 = tpu.memref_squeeze %dma_wait3A_104 : memref<1x!tpu.dma_semaphore, #tpu.memory_space<semaphore_mem>> -> memref<!tpu.dma_semaphore, #tpu.memory_space<semaphore_mem>>
      tpu.wait_indirect_dma semaphore(%dma_wait3A_105 : memref<!tpu.dma_semaphore, #tpu.memory_space<semaphore_mem>>) src(%dma_wait3A_103 : memref<10112x128xf32, #tpu.memory_space<hbm>>) dst(%dma_wait3A_93 : memref<128x128xf32, #tpu.memory_space<vmem>>)
      %dma_wait3A_106 = arith.constant 0 : i32
      %dma_wait3A_107 = arith.constant 0 : i32
      %dma_wait3A_108 = tpu.memref_slice %arg8[%select_n3A_87, %dma_wait3A_106, %dma_wait3A_107] : memref<2x1x128xi32, #tpu.memory_space<vmem>> -> memref<1x1x128xi32, #tpu.memory_space<vmem>>
      %dma_wait3A_109 = tpu.memref_squeeze %dma_wait3A_108 : memref<1x1x128xi32, #tpu.memory_space<vmem>> -> memref<1x128xi32, #tpu.memory_space<vmem>>
      %dma_wait3A_110 = arith.constant 0 : i32
      %dma_wait3A_111 = arith.constant 0 : i32
      %dma_wait3A_112 = tpu.memref_slice %arg4[%add3A, %add3A_78, %dma_wait3A_110, %dma_wait3A_111] : memref<32x79x1x128xi32, #tpu.memory_space<hbm>> -> memref<1x1x1x128xi32, #tpu.memory_space<hbm>>
      %dma_wait3A_113 = tpu.memref_squeeze %dma_wait3A_112 : memref<1x1x1x128xi32, #tpu.memory_space<hbm>> -> memref<1x128xi32, #tpu.memory_space<hbm>>
      %dma_wait3A_114 = tpu.memref_slice %arg12[%select_n3A_87] : memref<2x!tpu.dma_semaphore, #tpu.memory_space<semaphore_mem>> -> memref<1x!tpu.dma_semaphore, #tpu.memory_space<semaphore_mem>>
      %dma_wait3A_115 = tpu.memref_squeeze %dma_wait3A_114 : memref<1x!tpu.dma_semaphore, #tpu.memory_space<semaphore_mem>> -> memref<!tpu.dma_semaphore, #tpu.memory_space<semaphore_mem>>
      %dma_wait3A_116 = arith.constant 0 : i32
      %dma_wait3A_117 = arith.constant 0 : i32
      %dma_wait3A_118 = tpu.memref_slice %arg8[%select_n3A_87, %dma_wait3A_116, %dma_wait3A_117] : memref<2x1x128xi32, #tpu.memory_space<vmem>> -> memref<1x1x128xi32, #tpu.memory_space<vmem>>
      %dma_wait3A_119 = tpu.memref_squeeze %dma_wait3A_118 : memref<1x1x128xi32, #tpu.memory_space<vmem>> -> memref<1x128xi32, #tpu.memory_space<vmem>>
      %dma_wait3A_120 = arith.constant 0 : i32
      %dma_wait3A_121 = arith.constant 0 : i32
      %dma_wait3A_122 = tpu.memref_slice %arg4[%add3A, %add3A_78, %dma_wait3A_120, %dma_wait3A_121] : memref<32x79x1x128xi32, #tpu.memory_space<hbm>> -> memref<1x1x1x128xi32, #tpu.memory_space<hbm>>
      %dma_wait3A_123 = tpu.memref_squeeze %dma_wait3A_122 : memref<1x1x1x128xi32, #tpu.memory_space<hbm>> -> memref<1x128xi32, #tpu.memory_space<hbm>>
      tpu.wait_dma2 semaphore(%dma_wait3A_115 : memref<!tpu.dma_semaphore, #tpu.memory_space<semaphore_mem>>) src(%dma_wait3A_123 : memref<1x128xi32, #tpu.memory_space<hbm>>) dst(%dma_wait3A_119 : memref<1x128xi32, #tpu.memory_space<vmem>>)
      %run_scoped3A = arith.constant 0 : i32
      "tpu.region"() ({
        %run_scoped3A_129 = tpu.sem_alloc : memref<!tpu.dma_semaphore, #tpu.memory_space<semaphore_mem>>
        %dma_start3A_130 = arith.constant 0 : i32
        %dma_start3A_131 = arith.constant 0 : i32
        %dma_start3A_132 = tpu.memref_slice %arg9[%select_n3A_87, %dma_start3A_130, %dma_start3A_131] : memref<2x128x128xf32, #tpu.memory_space<vmem>> -> memref<1x128x128xf32, #tpu.memory_space<vmem>>
        %dma_start3A_133 = tpu.memref_squeeze %dma_start3A_132 : memref<1x128x128xf32, #tpu.memory_space<vmem>> -> memref<128x128xf32, #tpu.memory_space<vmem>>
        %dma_start3A_134 = arith.constant 0 : i32
        %dma_start3A_135 = tpu.memref_slice %arg8[%select_n3A_87, %run_scoped3A, %dma_start3A_134] : memref<2x1x128xi32, #tpu.memory_space<vmem>> -> memref<1x1x128xi32, #tpu.memory_space<vmem>>
        %dma_start3A_136 = tpu.memref_squeeze %dma_start3A_135 : memref<1x1x128xi32, #tpu.memory_space<vmem>> -> memref<128xi32, #tpu.memory_space<vmem>>
        %dma_start3A_137 = arith.constant 0 : i32
        %dma_start3A_138 = arith.constant 0 : i32
        %dma_start3A_139 = tpu.memref_slice %arg10[%dma_start3A_137, %dma_start3A_138] : memref<10112x128xf32, #tpu.memory_space<vmem_shared>> -> memref<10112x128xf32, #tpu.memory_space<vmem_shared>>
        tpu.enqueue_indirect_dma source(%dma_start3A_133 : memref<128x128xf32, #tpu.memory_space<vmem>>) target(%dma_start3A_139 : memref<10112x128xf32, #tpu.memory_space<vmem_shared>>) offsets(%dma_start3A_136 : memref<128xi32, #tpu.memory_space<vmem>>) semaphore(%run_scoped3A_129 : memref<!tpu.dma_semaphore, #tpu.memory_space<semaphore_mem>>) {add = true}
        %dma_wait3A_140 = arith.constant 0 : i32
        %dma_wait3A_141 = arith.constant 0 : i32
        %dma_wait3A_142 = tpu.memref_slice %arg9[%select_n3A_87, %dma_wait3A_140, %dma_wait3A_141] : memref<2x128x128xf32, #tpu.memory_space<vmem>> -> memref<1x128x128xf32, #tpu.memory_space<vmem>>
        %dma_wait3A_143 = tpu.memref_squeeze %dma_wait3A_142 : memref<1x128x128xf32, #tpu.memory_space<vmem>> -> memref<128x128xf32, #tpu.memory_space<vmem>>
        %dma_wait3A_144 = arith.constant 0 : i32
        %dma_wait3A_145 = tpu.memref_slice %arg8[%select_n3A_87, %run_scoped3A, %dma_wait3A_144] : memref<2x1x128xi32, #tpu.memory_space<vmem>> -> memref<1x1x128xi32, #tpu.memory_space<vmem>>
        %dma_wait3A_146 = tpu.memref_squeeze %dma_wait3A_145 : memref<1x1x128xi32, #tpu.memory_space<vmem>> -> memref<128xi32, #tpu.memory_space<vmem>>
        %dma_wait3A_147 = arith.constant 0 : i32
        %dma_wait3A_148 = arith.constant 0 : i32
        %dma_wait3A_149 = tpu.memref_slice %arg10[%dma_wait3A_147, %dma_wait3A_148] : memref<10112x128xf32, #tpu.memory_space<vmem_shared>> -> memref<10112x128xf32, #tpu.memory_space<vmem_shared>>
        tpu.wait_indirect_dma semaphore(%run_scoped3A_129 : memref<!tpu.dma_semaphore, #tpu.memory_space<semaphore_mem>>) src(%dma_wait3A_143 : memref<128x128xf32, #tpu.memory_space<vmem>>) dst(%dma_wait3A_149 : memref<10112x128xf32, #tpu.memory_space<vmem_shared>>)
        tpu.yield
      }) : () -> ()
      %lt3A_124 = arith.constant 77 : i32
      %lt3A_125 = arith.cmpi slt, %add3A_78, %lt3A_124 : i32
      %convert_element_type3A_126 = arith.extui %lt3A_125 : i1 to i32
      %cond3A_127 = arith.constant 0 : i32
      %cond3A_128 = arith.cmpi ne, %convert_element_type3A_126, %cond3A_127 : i32
      scf.if %cond3A_128 {
        %add3A_129 = arith.constant 2 : i32
        %add3A_130 = arith.addi %add3A_78, %add3A_129 : i32
        %dma_start3A_131 = arith.constant 0 : i32
        %dma_start3A_132 = arith.constant 0 : i32
        %dma_start3A_133 = tpu.memref_slice %arg8[%select_n3A_87, %dma_start3A_131, %dma_start3A_132] : memref<2x1x128xi32, #tpu.memory_space<vmem>> -> memref<1x1x128xi32, #tpu.memory_space<vmem>>
        %dma_start3A_134 = tpu.memref_squeeze %dma_start3A_133 : memref<1x1x128xi32, #tpu.memory_space<vmem>> -> memref<1x128xi32, #tpu.memory_space<vmem>>
        %dma_start3A_135 = arith.constant 0 : i32
        %dma_start3A_136 = arith.constant 0 : i32
        %dma_start3A_137 = tpu.memref_slice %arg4[%add3A, %add3A_130, %dma_start3A_135, %dma_start3A_136] : memref<32x79x1x128xi32, #tpu.memory_space<hbm>> -> memref<1x1x1x128xi32, #tpu.memory_space<hbm>>
        %dma_start3A_138 = tpu.memref_squeeze %dma_start3A_137 : memref<1x1x1x128xi32, #tpu.memory_space<hbm>> -> memref<1x128xi32, #tpu.memory_space<hbm>>
        %dma_start3A_139 = tpu.memref_slice %arg12[%select_n3A_87] : memref<2x!tpu.dma_semaphore, #tpu.memory_space<semaphore_mem>> -> memref<1x!tpu.dma_semaphore, #tpu.memory_space<semaphore_mem>>
        %dma_start3A_140 = tpu.memref_squeeze %dma_start3A_139 : memref<1x!tpu.dma_semaphore, #tpu.memory_space<semaphore_mem>> -> memref<!tpu.dma_semaphore, #tpu.memory_space<semaphore_mem>>
        %dma_start3A_141 = arith.constant 0 : i32
        %dma_start3A_142 = arith.constant 0 : i32
        %dma_start3A_143 = tpu.memref_slice %arg8[%select_n3A_87, %dma_start3A_141, %dma_start3A_142] : memref<2x1x128xi32, #tpu.memory_space<vmem>> -> memref<1x1x128xi32, #tpu.memory_space<vmem>>
        %dma_start3A_144 = tpu.memref_squeeze %dma_start3A_143 : memref<1x1x128xi32, #tpu.memory_space<vmem>> -> memref<1x128xi32, #tpu.memory_space<vmem>>
        %dma_start3A_145 = arith.constant 0 : i32
        %dma_start3A_146 = arith.constant 0 : i32
        %dma_start3A_147 = tpu.memref_slice %arg4[%add3A, %add3A_130, %dma_start3A_145, %dma_start3A_146] : memref<32x79x1x128xi32, #tpu.memory_space<hbm>> -> memref<1x1x1x128xi32, #tpu.memory_space<hbm>>
        %dma_start3A_148 = tpu.memref_squeeze %dma_start3A_147 : memref<1x1x1x128xi32, #tpu.memory_space<hbm>> -> memref<1x128xi32, #tpu.memory_space<hbm>>
        tpu.enqueue_dma source(%dma_start3A_148 : memref<1x128xi32, #tpu.memory_space<hbm>>) target(%dma_start3A_144 : memref<1x128xi32, #tpu.memory_space<vmem>>) target_semaphore(%dma_start3A_140 : memref<!tpu.dma_semaphore, #tpu.memory_space<semaphore_mem>>)
      } else {
      }
    }
    %scan3A_68 = arith.constant 79 : i32
    %barrier3A_69 = arith.constant 0 : index
    tpu.barrier barrier_id(%barrier3A_69)
    %mul3A_70 = arith.constant 632 : i32
    %mul3A_71 = arith.muli %arg1, %mul3A_70 : i32
    %mul3A_72 = arith.constant 632 : i32
    %mul3A_73 = arith.muli %arg1, %mul3A_72 : i32
    "tpu.region"() ({
      %run_scoped3A = tpu.sem_alloc : memref<!tpu.dma_semaphore, #tpu.memory_space<semaphore_mem>>
      %dma_start3A_74 = arith.constant 0 : i32
      %dma_start3A_75 = tpu.memref_slice %arg6[%arg0, %mul3A_73, %dma_start3A_74] : memref<2x10112x128xf32, #tpu.memory_space<hbm>> -> memref<1x632x128xf32, #tpu.memory_space<hbm>>
      %dma_start3A_76 = tpu.memref_squeeze %dma_start3A_75 : memref<1x632x128xf32, #tpu.memory_space<hbm>> -> memref<632x128xf32, #tpu.memory_space<hbm>>
      %dma_start3A_77 = arith.constant 0 : i32
      %dma_start3A_78 = tpu.memref_slice %arg10[%mul3A_71, %dma_start3A_77] : memref<10112x128xf32, #tpu.memory_space<vmem_shared>> -> memref<632x128xf32, #tpu.memory_space<vmem_shared>>
      tpu.enqueue_dma source(%dma_start3A_78 : memref<632x128xf32, #tpu.memory_space<vmem_shared>>) target(%dma_start3A_76 : memref<632x128xf32, #tpu.memory_space<hbm>>) target_semaphore(%run_scoped3A : memref<!tpu.dma_semaphore, #tpu.memory_space<semaphore_mem>>)
      %dma_wait3A = arith.constant 0 : i32
      %dma_wait3A_79 = tpu.memref_slice %arg6[%arg0, %mul3A_73, %dma_wait3A] : memref<2x10112x128xf32, #tpu.memory_space<hbm>> -> memref<1x632x128xf32, #tpu.memory_space<hbm>>
      %dma_wait3A_80 = tpu.memref_squeeze %dma_wait3A_79 : memref<1x632x128xf32, #tpu.memory_space<hbm>> -> memref<632x128xf32, #tpu.memory_space<hbm>>
      %dma_wait3A_81 = arith.constant 0 : i32
      %dma_wait3A_82 = tpu.memref_slice %arg10[%mul3A_71, %dma_wait3A_81] : memref<10112x128xf32, #tpu.memory_space<vmem_shared>> -> memref<632x128xf32, #tpu.memory_space<vmem_shared>>
      tpu.wait_dma2 semaphore(%run_scoped3A : memref<!tpu.dma_semaphore, #tpu.memory_space<semaphore_mem>>) src(%dma_wait3A_82 : memref<632x128xf32, #tpu.memory_space<vmem_shared>>) dst(%dma_wait3A_80 : memref<632x128xf32, #tpu.memory_space<hbm>>)
      tpu.yield
    }) : () -> ()
    return
  }
}

module attributes {stable_mosaic.version = 14 : i64} {
  func.func @_scale_body(%arg0: memref<2x79x128xf32, #tpu.memory_space<vmem>>, %arg1: memref<10112x128xf32, #tpu.memory_space<vmem>>, %arg2: memref<2x10112x128xf32, #tpu.memory_space<vmem>>) attributes {dimension_semantics = [], scalar_prefetch = 0 : i64, scratch_operands = 0 : i64, tpu.core_type = #tpu.core_type<tc>} {
    %get3A = arith.constant 0 : index
    %get3A_0 = arith.constant 0 : index
    %get3A_1 = vector.load %arg1[%get3A, %get3A_0] : memref<10112x128xf32, #tpu.memory_space<vmem>>, vector<10112x128xf32>
    %get3A_2 = arith.constant 0 : index
    %get3A_3 = arith.constant 0 : index
    %get3A_4 = arith.constant 0 : index
    %get3A_5 = vector.load %arg0[%get3A_2, %get3A_3, %get3A_4] : memref<2x79x128xf32, #tpu.memory_space<vmem>>, vector<1x79x128xf32>
    %get3A_6 = vector.shape_cast %get3A_5 : vector<1x79x128xf32> to vector<79x128xf32>
    %get3A_7 = arith.constant 1 : index
    %get3A_8 = arith.constant 0 : index
    %get3A_9 = arith.constant 0 : index
    %get3A_10 = vector.load %arg0[%get3A_7, %get3A_8, %get3A_9] : memref<2x79x128xf32, #tpu.memory_space<vmem>>, vector<1x79x128xf32>
    %get3A_11 = vector.shape_cast %get3A_10 : vector<1x79x128xf32> to vector<79x128xf32>
    %add3A = arith.addf %get3A_6, %get3A_11 : vector<79x128xf32>
    %max3A = arith.constant 1.000000e+00 : f32
    %max3A_12 = vector.broadcast %max3A : f32 to vector<79x128xf32>
    %max3A_13 = arith.maximumf %add3A, %max3A_12 : vector<79x128xf32>
    %rsqrt3A = math.rsqrt %max3A_13 : vector<79x128xf32>
    %slice3A = vector.extract_strided_slice %rsqrt3A {offsets = [0, 0], sizes = [1, 128], strides = [1, 1]} : vector<79x128xf32> to vector<1x128xf32>
    %transpose3A = tpu.transpose %slice3A, [1, 0] : vector<1x128xf32> -> vector<128x1xf32>
    %slice3A_14 = vector.extract_strided_slice %rsqrt3A {offsets = [1, 0], sizes = [1, 128], strides = [1, 1]} : vector<79x128xf32> to vector<1x128xf32>
    %transpose3A_15 = tpu.transpose %slice3A_14, [1, 0] : vector<1x128xf32> -> vector<128x1xf32>
    %slice3A_16 = vector.extract_strided_slice %rsqrt3A {offsets = [2, 0], sizes = [1, 128], strides = [1, 1]} : vector<79x128xf32> to vector<1x128xf32>
    %transpose3A_17 = tpu.transpose %slice3A_16, [1, 0] : vector<1x128xf32> -> vector<128x1xf32>
    %slice3A_18 = vector.extract_strided_slice %rsqrt3A {offsets = [3, 0], sizes = [1, 128], strides = [1, 1]} : vector<79x128xf32> to vector<1x128xf32>
    %transpose3A_19 = tpu.transpose %slice3A_18, [1, 0] : vector<1x128xf32> -> vector<128x1xf32>
    %slice3A_20 = vector.extract_strided_slice %rsqrt3A {offsets = [4, 0], sizes = [1, 128], strides = [1, 1]} : vector<79x128xf32> to vector<1x128xf32>
    %transpose3A_21 = tpu.transpose %slice3A_20, [1, 0] : vector<1x128xf32> -> vector<128x1xf32>
    %slice3A_22 = vector.extract_strided_slice %rsqrt3A {offsets = [5, 0], sizes = [1, 128], strides = [1, 1]} : vector<79x128xf32> to vector<1x128xf32>
    %transpose3A_23 = tpu.transpose %slice3A_22, [1, 0] : vector<1x128xf32> -> vector<128x1xf32>
    %slice3A_24 = vector.extract_strided_slice %rsqrt3A {offsets = [6, 0], sizes = [1, 128], strides = [1, 1]} : vector<79x128xf32> to vector<1x128xf32>
    %transpose3A_25 = tpu.transpose %slice3A_24, [1, 0] : vector<1x128xf32> -> vector<128x1xf32>
    %slice3A_26 = vector.extract_strided_slice %rsqrt3A {offsets = [7, 0], sizes = [1, 128], strides = [1, 1]} : vector<79x128xf32> to vector<1x128xf32>
    %transpose3A_27 = tpu.transpose %slice3A_26, [1, 0] : vector<1x128xf32> -> vector<128x1xf32>
    %slice3A_28 = vector.extract_strided_slice %rsqrt3A {offsets = [8, 0], sizes = [1, 128], strides = [1, 1]} : vector<79x128xf32> to vector<1x128xf32>
    %transpose3A_29 = tpu.transpose %slice3A_28, [1, 0] : vector<1x128xf32> -> vector<128x1xf32>
    %slice3A_30 = vector.extract_strided_slice %rsqrt3A {offsets = [9, 0], sizes = [1, 128], strides = [1, 1]} : vector<79x128xf32> to vector<1x128xf32>
    %transpose3A_31 = tpu.transpose %slice3A_30, [1, 0] : vector<1x128xf32> -> vector<128x1xf32>
    %slice3A_32 = vector.extract_strided_slice %rsqrt3A {offsets = [10, 0], sizes = [1, 128], strides = [1, 1]} : vector<79x128xf32> to vector<1x128xf32>
    %transpose3A_33 = tpu.transpose %slice3A_32, [1, 0] : vector<1x128xf32> -> vector<128x1xf32>
    %slice3A_34 = vector.extract_strided_slice %rsqrt3A {offsets = [11, 0], sizes = [1, 128], strides = [1, 1]} : vector<79x128xf32> to vector<1x128xf32>
    %transpose3A_35 = tpu.transpose %slice3A_34, [1, 0] : vector<1x128xf32> -> vector<128x1xf32>
    %slice3A_36 = vector.extract_strided_slice %rsqrt3A {offsets = [12, 0], sizes = [1, 128], strides = [1, 1]} : vector<79x128xf32> to vector<1x128xf32>
    %transpose3A_37 = tpu.transpose %slice3A_36, [1, 0] : vector<1x128xf32> -> vector<128x1xf32>
    %slice3A_38 = vector.extract_strided_slice %rsqrt3A {offsets = [13, 0], sizes = [1, 128], strides = [1, 1]} : vector<79x128xf32> to vector<1x128xf32>
    %transpose3A_39 = tpu.transpose %slice3A_38, [1, 0] : vector<1x128xf32> -> vector<128x1xf32>
    %slice3A_40 = vector.extract_strided_slice %rsqrt3A {offsets = [14, 0], sizes = [1, 128], strides = [1, 1]} : vector<79x128xf32> to vector<1x128xf32>
    %transpose3A_41 = tpu.transpose %slice3A_40, [1, 0] : vector<1x128xf32> -> vector<128x1xf32>
    %slice3A_42 = vector.extract_strided_slice %rsqrt3A {offsets = [15, 0], sizes = [1, 128], strides = [1, 1]} : vector<79x128xf32> to vector<1x128xf32>
    %transpose3A_43 = tpu.transpose %slice3A_42, [1, 0] : vector<1x128xf32> -> vector<128x1xf32>
    %slice3A_44 = vector.extract_strided_slice %rsqrt3A {offsets = [16, 0], sizes = [1, 128], strides = [1, 1]} : vector<79x128xf32> to vector<1x128xf32>
    %transpose3A_45 = tpu.transpose %slice3A_44, [1, 0] : vector<1x128xf32> -> vector<128x1xf32>
    %slice3A_46 = vector.extract_strided_slice %rsqrt3A {offsets = [17, 0], sizes = [1, 128], strides = [1, 1]} : vector<79x128xf32> to vector<1x128xf32>
    %transpose3A_47 = tpu.transpose %slice3A_46, [1, 0] : vector<1x128xf32> -> vector<128x1xf32>
    %slice3A_48 = vector.extract_strided_slice %rsqrt3A {offsets = [18, 0], sizes = [1, 128], strides = [1, 1]} : vector<79x128xf32> to vector<1x128xf32>
    %transpose3A_49 = tpu.transpose %slice3A_48, [1, 0] : vector<1x128xf32> -> vector<128x1xf32>
    %slice3A_50 = vector.extract_strided_slice %rsqrt3A {offsets = [19, 0], sizes = [1, 128], strides = [1, 1]} : vector<79x128xf32> to vector<1x128xf32>
    %transpose3A_51 = tpu.transpose %slice3A_50, [1, 0] : vector<1x128xf32> -> vector<128x1xf32>
    %slice3A_52 = vector.extract_strided_slice %rsqrt3A {offsets = [20, 0], sizes = [1, 128], strides = [1, 1]} : vector<79x128xf32> to vector<1x128xf32>
    %transpose3A_53 = tpu.transpose %slice3A_52, [1, 0] : vector<1x128xf32> -> vector<128x1xf32>
    %slice3A_54 = vector.extract_strided_slice %rsqrt3A {offsets = [21, 0], sizes = [1, 128], strides = [1, 1]} : vector<79x128xf32> to vector<1x128xf32>
    %transpose3A_55 = tpu.transpose %slice3A_54, [1, 0] : vector<1x128xf32> -> vector<128x1xf32>
    %slice3A_56 = vector.extract_strided_slice %rsqrt3A {offsets = [22, 0], sizes = [1, 128], strides = [1, 1]} : vector<79x128xf32> to vector<1x128xf32>
    %transpose3A_57 = tpu.transpose %slice3A_56, [1, 0] : vector<1x128xf32> -> vector<128x1xf32>
    %slice3A_58 = vector.extract_strided_slice %rsqrt3A {offsets = [23, 0], sizes = [1, 128], strides = [1, 1]} : vector<79x128xf32> to vector<1x128xf32>
    %transpose3A_59 = tpu.transpose %slice3A_58, [1, 0] : vector<1x128xf32> -> vector<128x1xf32>
    %slice3A_60 = vector.extract_strided_slice %rsqrt3A {offsets = [24, 0], sizes = [1, 128], strides = [1, 1]} : vector<79x128xf32> to vector<1x128xf32>
    %transpose3A_61 = tpu.transpose %slice3A_60, [1, 0] : vector<1x128xf32> -> vector<128x1xf32>
    %slice3A_62 = vector.extract_strided_slice %rsqrt3A {offsets = [25, 0], sizes = [1, 128], strides = [1, 1]} : vector<79x128xf32> to vector<1x128xf32>
    %transpose3A_63 = tpu.transpose %slice3A_62, [1, 0] : vector<1x128xf32> -> vector<128x1xf32>
    %slice3A_64 = vector.extract_strided_slice %rsqrt3A {offsets = [26, 0], sizes = [1, 128], strides = [1, 1]} : vector<79x128xf32> to vector<1x128xf32>
    %transpose3A_65 = tpu.transpose %slice3A_64, [1, 0] : vector<1x128xf32> -> vector<128x1xf32>
    %slice3A_66 = vector.extract_strided_slice %rsqrt3A {offsets = [27, 0], sizes = [1, 128], strides = [1, 1]} : vector<79x128xf32> to vector<1x128xf32>
    %transpose3A_67 = tpu.transpose %slice3A_66, [1, 0] : vector<1x128xf32> -> vector<128x1xf32>
    %slice3A_68 = vector.extract_strided_slice %rsqrt3A {offsets = [28, 0], sizes = [1, 128], strides = [1, 1]} : vector<79x128xf32> to vector<1x128xf32>
    %transpose3A_69 = tpu.transpose %slice3A_68, [1, 0] : vector<1x128xf32> -> vector<128x1xf32>
    %slice3A_70 = vector.extract_strided_slice %rsqrt3A {offsets = [29, 0], sizes = [1, 128], strides = [1, 1]} : vector<79x128xf32> to vector<1x128xf32>
    %transpose3A_71 = tpu.transpose %slice3A_70, [1, 0] : vector<1x128xf32> -> vector<128x1xf32>
    %slice3A_72 = vector.extract_strided_slice %rsqrt3A {offsets = [30, 0], sizes = [1, 128], strides = [1, 1]} : vector<79x128xf32> to vector<1x128xf32>
    %transpose3A_73 = tpu.transpose %slice3A_72, [1, 0] : vector<1x128xf32> -> vector<128x1xf32>
    %slice3A_74 = vector.extract_strided_slice %rsqrt3A {offsets = [31, 0], sizes = [1, 128], strides = [1, 1]} : vector<79x128xf32> to vector<1x128xf32>
    %transpose3A_75 = tpu.transpose %slice3A_74, [1, 0] : vector<1x128xf32> -> vector<128x1xf32>
    %slice3A_76 = vector.extract_strided_slice %rsqrt3A {offsets = [32, 0], sizes = [1, 128], strides = [1, 1]} : vector<79x128xf32> to vector<1x128xf32>
    %transpose3A_77 = tpu.transpose %slice3A_76, [1, 0] : vector<1x128xf32> -> vector<128x1xf32>
    %slice3A_78 = vector.extract_strided_slice %rsqrt3A {offsets = [33, 0], sizes = [1, 128], strides = [1, 1]} : vector<79x128xf32> to vector<1x128xf32>
    %transpose3A_79 = tpu.transpose %slice3A_78, [1, 0] : vector<1x128xf32> -> vector<128x1xf32>
    %slice3A_80 = vector.extract_strided_slice %rsqrt3A {offsets = [34, 0], sizes = [1, 128], strides = [1, 1]} : vector<79x128xf32> to vector<1x128xf32>
    %transpose3A_81 = tpu.transpose %slice3A_80, [1, 0] : vector<1x128xf32> -> vector<128x1xf32>
    %slice3A_82 = vector.extract_strided_slice %rsqrt3A {offsets = [35, 0], sizes = [1, 128], strides = [1, 1]} : vector<79x128xf32> to vector<1x128xf32>
    %transpose3A_83 = tpu.transpose %slice3A_82, [1, 0] : vector<1x128xf32> -> vector<128x1xf32>
    %slice3A_84 = vector.extract_strided_slice %rsqrt3A {offsets = [36, 0], sizes = [1, 128], strides = [1, 1]} : vector<79x128xf32> to vector<1x128xf32>
    %transpose3A_85 = tpu.transpose %slice3A_84, [1, 0] : vector<1x128xf32> -> vector<128x1xf32>
    %slice3A_86 = vector.extract_strided_slice %rsqrt3A {offsets = [37, 0], sizes = [1, 128], strides = [1, 1]} : vector<79x128xf32> to vector<1x128xf32>
    %transpose3A_87 = tpu.transpose %slice3A_86, [1, 0] : vector<1x128xf32> -> vector<128x1xf32>
    %slice3A_88 = vector.extract_strided_slice %rsqrt3A {offsets = [38, 0], sizes = [1, 128], strides = [1, 1]} : vector<79x128xf32> to vector<1x128xf32>
    %transpose3A_89 = tpu.transpose %slice3A_88, [1, 0] : vector<1x128xf32> -> vector<128x1xf32>
    %slice3A_90 = vector.extract_strided_slice %rsqrt3A {offsets = [39, 0], sizes = [1, 128], strides = [1, 1]} : vector<79x128xf32> to vector<1x128xf32>
    %transpose3A_91 = tpu.transpose %slice3A_90, [1, 0] : vector<1x128xf32> -> vector<128x1xf32>
    %slice3A_92 = vector.extract_strided_slice %rsqrt3A {offsets = [40, 0], sizes = [1, 128], strides = [1, 1]} : vector<79x128xf32> to vector<1x128xf32>
    %transpose3A_93 = tpu.transpose %slice3A_92, [1, 0] : vector<1x128xf32> -> vector<128x1xf32>
    %slice3A_94 = vector.extract_strided_slice %rsqrt3A {offsets = [41, 0], sizes = [1, 128], strides = [1, 1]} : vector<79x128xf32> to vector<1x128xf32>
    %transpose3A_95 = tpu.transpose %slice3A_94, [1, 0] : vector<1x128xf32> -> vector<128x1xf32>
    %slice3A_96 = vector.extract_strided_slice %rsqrt3A {offsets = [42, 0], sizes = [1, 128], strides = [1, 1]} : vector<79x128xf32> to vector<1x128xf32>
    %transpose3A_97 = tpu.transpose %slice3A_96, [1, 0] : vector<1x128xf32> -> vector<128x1xf32>
    %slice3A_98 = vector.extract_strided_slice %rsqrt3A {offsets = [43, 0], sizes = [1, 128], strides = [1, 1]} : vector<79x128xf32> to vector<1x128xf32>
    %transpose3A_99 = tpu.transpose %slice3A_98, [1, 0] : vector<1x128xf32> -> vector<128x1xf32>
    %slice3A_100 = vector.extract_strided_slice %rsqrt3A {offsets = [44, 0], sizes = [1, 128], strides = [1, 1]} : vector<79x128xf32> to vector<1x128xf32>
    %transpose3A_101 = tpu.transpose %slice3A_100, [1, 0] : vector<1x128xf32> -> vector<128x1xf32>
    %slice3A_102 = vector.extract_strided_slice %rsqrt3A {offsets = [45, 0], sizes = [1, 128], strides = [1, 1]} : vector<79x128xf32> to vector<1x128xf32>
    %transpose3A_103 = tpu.transpose %slice3A_102, [1, 0] : vector<1x128xf32> -> vector<128x1xf32>
    %slice3A_104 = vector.extract_strided_slice %rsqrt3A {offsets = [46, 0], sizes = [1, 128], strides = [1, 1]} : vector<79x128xf32> to vector<1x128xf32>
    %transpose3A_105 = tpu.transpose %slice3A_104, [1, 0] : vector<1x128xf32> -> vector<128x1xf32>
    %slice3A_106 = vector.extract_strided_slice %rsqrt3A {offsets = [47, 0], sizes = [1, 128], strides = [1, 1]} : vector<79x128xf32> to vector<1x128xf32>
    %transpose3A_107 = tpu.transpose %slice3A_106, [1, 0] : vector<1x128xf32> -> vector<128x1xf32>
    %slice3A_108 = vector.extract_strided_slice %rsqrt3A {offsets = [48, 0], sizes = [1, 128], strides = [1, 1]} : vector<79x128xf32> to vector<1x128xf32>
    %transpose3A_109 = tpu.transpose %slice3A_108, [1, 0] : vector<1x128xf32> -> vector<128x1xf32>
    %slice3A_110 = vector.extract_strided_slice %rsqrt3A {offsets = [49, 0], sizes = [1, 128], strides = [1, 1]} : vector<79x128xf32> to vector<1x128xf32>
    %transpose3A_111 = tpu.transpose %slice3A_110, [1, 0] : vector<1x128xf32> -> vector<128x1xf32>
    %slice3A_112 = vector.extract_strided_slice %rsqrt3A {offsets = [50, 0], sizes = [1, 128], strides = [1, 1]} : vector<79x128xf32> to vector<1x128xf32>
    %transpose3A_113 = tpu.transpose %slice3A_112, [1, 0] : vector<1x128xf32> -> vector<128x1xf32>
    %slice3A_114 = vector.extract_strided_slice %rsqrt3A {offsets = [51, 0], sizes = [1, 128], strides = [1, 1]} : vector<79x128xf32> to vector<1x128xf32>
    %transpose3A_115 = tpu.transpose %slice3A_114, [1, 0] : vector<1x128xf32> -> vector<128x1xf32>
    %slice3A_116 = vector.extract_strided_slice %rsqrt3A {offsets = [52, 0], sizes = [1, 128], strides = [1, 1]} : vector<79x128xf32> to vector<1x128xf32>
    %transpose3A_117 = tpu.transpose %slice3A_116, [1, 0] : vector<1x128xf32> -> vector<128x1xf32>
    %slice3A_118 = vector.extract_strided_slice %rsqrt3A {offsets = [53, 0], sizes = [1, 128], strides = [1, 1]} : vector<79x128xf32> to vector<1x128xf32>
    %transpose3A_119 = tpu.transpose %slice3A_118, [1, 0] : vector<1x128xf32> -> vector<128x1xf32>
    %slice3A_120 = vector.extract_strided_slice %rsqrt3A {offsets = [54, 0], sizes = [1, 128], strides = [1, 1]} : vector<79x128xf32> to vector<1x128xf32>
    %transpose3A_121 = tpu.transpose %slice3A_120, [1, 0] : vector<1x128xf32> -> vector<128x1xf32>
    %slice3A_122 = vector.extract_strided_slice %rsqrt3A {offsets = [55, 0], sizes = [1, 128], strides = [1, 1]} : vector<79x128xf32> to vector<1x128xf32>
    %transpose3A_123 = tpu.transpose %slice3A_122, [1, 0] : vector<1x128xf32> -> vector<128x1xf32>
    %slice3A_124 = vector.extract_strided_slice %rsqrt3A {offsets = [56, 0], sizes = [1, 128], strides = [1, 1]} : vector<79x128xf32> to vector<1x128xf32>
    %transpose3A_125 = tpu.transpose %slice3A_124, [1, 0] : vector<1x128xf32> -> vector<128x1xf32>
    %slice3A_126 = vector.extract_strided_slice %rsqrt3A {offsets = [57, 0], sizes = [1, 128], strides = [1, 1]} : vector<79x128xf32> to vector<1x128xf32>
    %transpose3A_127 = tpu.transpose %slice3A_126, [1, 0] : vector<1x128xf32> -> vector<128x1xf32>
    %slice3A_128 = vector.extract_strided_slice %rsqrt3A {offsets = [58, 0], sizes = [1, 128], strides = [1, 1]} : vector<79x128xf32> to vector<1x128xf32>
    %transpose3A_129 = tpu.transpose %slice3A_128, [1, 0] : vector<1x128xf32> -> vector<128x1xf32>
    %slice3A_130 = vector.extract_strided_slice %rsqrt3A {offsets = [59, 0], sizes = [1, 128], strides = [1, 1]} : vector<79x128xf32> to vector<1x128xf32>
    %transpose3A_131 = tpu.transpose %slice3A_130, [1, 0] : vector<1x128xf32> -> vector<128x1xf32>
    %slice3A_132 = vector.extract_strided_slice %rsqrt3A {offsets = [60, 0], sizes = [1, 128], strides = [1, 1]} : vector<79x128xf32> to vector<1x128xf32>
    %transpose3A_133 = tpu.transpose %slice3A_132, [1, 0] : vector<1x128xf32> -> vector<128x1xf32>
    %slice3A_134 = vector.extract_strided_slice %rsqrt3A {offsets = [61, 0], sizes = [1, 128], strides = [1, 1]} : vector<79x128xf32> to vector<1x128xf32>
    %transpose3A_135 = tpu.transpose %slice3A_134, [1, 0] : vector<1x128xf32> -> vector<128x1xf32>
    %slice3A_136 = vector.extract_strided_slice %rsqrt3A {offsets = [62, 0], sizes = [1, 128], strides = [1, 1]} : vector<79x128xf32> to vector<1x128xf32>
    %transpose3A_137 = tpu.transpose %slice3A_136, [1, 0] : vector<1x128xf32> -> vector<128x1xf32>
    %slice3A_138 = vector.extract_strided_slice %rsqrt3A {offsets = [63, 0], sizes = [1, 128], strides = [1, 1]} : vector<79x128xf32> to vector<1x128xf32>
    %transpose3A_139 = tpu.transpose %slice3A_138, [1, 0] : vector<1x128xf32> -> vector<128x1xf32>
    %slice3A_140 = vector.extract_strided_slice %rsqrt3A {offsets = [64, 0], sizes = [1, 128], strides = [1, 1]} : vector<79x128xf32> to vector<1x128xf32>
    %transpose3A_141 = tpu.transpose %slice3A_140, [1, 0] : vector<1x128xf32> -> vector<128x1xf32>
    %slice3A_142 = vector.extract_strided_slice %rsqrt3A {offsets = [65, 0], sizes = [1, 128], strides = [1, 1]} : vector<79x128xf32> to vector<1x128xf32>
    %transpose3A_143 = tpu.transpose %slice3A_142, [1, 0] : vector<1x128xf32> -> vector<128x1xf32>
    %slice3A_144 = vector.extract_strided_slice %rsqrt3A {offsets = [66, 0], sizes = [1, 128], strides = [1, 1]} : vector<79x128xf32> to vector<1x128xf32>
    %transpose3A_145 = tpu.transpose %slice3A_144, [1, 0] : vector<1x128xf32> -> vector<128x1xf32>
    %slice3A_146 = vector.extract_strided_slice %rsqrt3A {offsets = [67, 0], sizes = [1, 128], strides = [1, 1]} : vector<79x128xf32> to vector<1x128xf32>
    %transpose3A_147 = tpu.transpose %slice3A_146, [1, 0] : vector<1x128xf32> -> vector<128x1xf32>
    %slice3A_148 = vector.extract_strided_slice %rsqrt3A {offsets = [68, 0], sizes = [1, 128], strides = [1, 1]} : vector<79x128xf32> to vector<1x128xf32>
    %transpose3A_149 = tpu.transpose %slice3A_148, [1, 0] : vector<1x128xf32> -> vector<128x1xf32>
    %slice3A_150 = vector.extract_strided_slice %rsqrt3A {offsets = [69, 0], sizes = [1, 128], strides = [1, 1]} : vector<79x128xf32> to vector<1x128xf32>
    %transpose3A_151 = tpu.transpose %slice3A_150, [1, 0] : vector<1x128xf32> -> vector<128x1xf32>
    %slice3A_152 = vector.extract_strided_slice %rsqrt3A {offsets = [70, 0], sizes = [1, 128], strides = [1, 1]} : vector<79x128xf32> to vector<1x128xf32>
    %transpose3A_153 = tpu.transpose %slice3A_152, [1, 0] : vector<1x128xf32> -> vector<128x1xf32>
    %slice3A_154 = vector.extract_strided_slice %rsqrt3A {offsets = [71, 0], sizes = [1, 128], strides = [1, 1]} : vector<79x128xf32> to vector<1x128xf32>
    %transpose3A_155 = tpu.transpose %slice3A_154, [1, 0] : vector<1x128xf32> -> vector<128x1xf32>
    %slice3A_156 = vector.extract_strided_slice %rsqrt3A {offsets = [72, 0], sizes = [1, 128], strides = [1, 1]} : vector<79x128xf32> to vector<1x128xf32>
    %transpose3A_157 = tpu.transpose %slice3A_156, [1, 0] : vector<1x128xf32> -> vector<128x1xf32>
    %slice3A_158 = vector.extract_strided_slice %rsqrt3A {offsets = [73, 0], sizes = [1, 128], strides = [1, 1]} : vector<79x128xf32> to vector<1x128xf32>
    %transpose3A_159 = tpu.transpose %slice3A_158, [1, 0] : vector<1x128xf32> -> vector<128x1xf32>
    %slice3A_160 = vector.extract_strided_slice %rsqrt3A {offsets = [74, 0], sizes = [1, 128], strides = [1, 1]} : vector<79x128xf32> to vector<1x128xf32>
    %transpose3A_161 = tpu.transpose %slice3A_160, [1, 0] : vector<1x128xf32> -> vector<128x1xf32>
    %slice3A_162 = vector.extract_strided_slice %rsqrt3A {offsets = [75, 0], sizes = [1, 128], strides = [1, 1]} : vector<79x128xf32> to vector<1x128xf32>
    %transpose3A_163 = tpu.transpose %slice3A_162, [1, 0] : vector<1x128xf32> -> vector<128x1xf32>
    %slice3A_164 = vector.extract_strided_slice %rsqrt3A {offsets = [76, 0], sizes = [1, 128], strides = [1, 1]} : vector<79x128xf32> to vector<1x128xf32>
    %transpose3A_165 = tpu.transpose %slice3A_164, [1, 0] : vector<1x128xf32> -> vector<128x1xf32>
    %slice3A_166 = vector.extract_strided_slice %rsqrt3A {offsets = [77, 0], sizes = [1, 128], strides = [1, 1]} : vector<79x128xf32> to vector<1x128xf32>
    %transpose3A_167 = tpu.transpose %slice3A_166, [1, 0] : vector<1x128xf32> -> vector<128x1xf32>
    %slice3A_168 = vector.extract_strided_slice %rsqrt3A {offsets = [78, 0], sizes = [1, 128], strides = [1, 1]} : vector<79x128xf32> to vector<1x128xf32>
    %transpose3A_169 = tpu.transpose %slice3A_168, [1, 0] : vector<1x128xf32> -> vector<128x1xf32>
    %concatenate3A = tpu.concatenate %transpose3A, %transpose3A_15, %transpose3A_17, %transpose3A_19, %transpose3A_21, %transpose3A_23, %transpose3A_25, %transpose3A_27, %transpose3A_29, %transpose3A_31, %transpose3A_33, %transpose3A_35, %transpose3A_37, %transpose3A_39, %transpose3A_41, %transpose3A_43, %transpose3A_45, %transpose3A_47, %transpose3A_49, %transpose3A_51, %transpose3A_53, %transpose3A_55, %transpose3A_57, %transpose3A_59, %transpose3A_61, %transpose3A_63, %transpose3A_65, %transpose3A_67, %transpose3A_69, %transpose3A_71, %transpose3A_73, %transpose3A_75, %transpose3A_77, %transpose3A_79, %transpose3A_81, %transpose3A_83, %transpose3A_85, %transpose3A_87, %transpose3A_89, %transpose3A_91, %transpose3A_93, %transpose3A_95, %transpose3A_97, %transpose3A_99, %transpose3A_101, %transpose3A_103, %transpose3A_105, %transpose3A_107, %transpose3A_109, %transpose3A_111, %transpose3A_113, %transpose3A_115, %transpose3A_117, %transpose3A_119, %transpose3A_121, %transpose3A_123, %transpose3A_125, %transpose3A_127, %transpose3A_129, %transpose3A_131, %transpose3A_133, %transpose3A_135, %transpose3A_137, %transpose3A_139, %transpose3A_141, %transpose3A_143, %transpose3A_145, %transpose3A_147, %transpose3A_149, %transpose3A_151, %transpose3A_153, %transpose3A_155, %transpose3A_157, %transpose3A_159, %transpose3A_161, %transpose3A_163, %transpose3A_165, %transpose3A_167, %transpose3A_169 in 0 : vector<128x1xf32>, vector<128x1xf32>, vector<128x1xf32>, vector<128x1xf32>, vector<128x1xf32>, vector<128x1xf32>, vector<128x1xf32>, vector<128x1xf32>, vector<128x1xf32>, vector<128x1xf32>, vector<128x1xf32>, vector<128x1xf32>, vector<128x1xf32>, vector<128x1xf32>, vector<128x1xf32>, vector<128x1xf32>, vector<128x1xf32>, vector<128x1xf32>, vector<128x1xf32>, vector<128x1xf32>, vector<128x1xf32>, vector<128x1xf32>, vector<128x1xf32>, vector<128x1xf32>, vector<128x1xf32>, vector<128x1xf32>, vector<128x1xf32>, vector<128x1xf32>, vector<128x1xf32>, vector<128x1xf32>, vector<128x1xf32>, vector<128x1xf32>, vector<128x1xf32>, vector<128x1xf32>, vector<128x1xf32>, vector<128x1xf32>, vector<128x1xf32>, vector<128x1xf32>, vector<128x1xf32>, vector<128x1xf32>, vector<128x1xf32>, vector<128x1xf32>, vector<128x1xf32>, vector<128x1xf32>, vector<128x1xf32>, vector<128x1xf32>, vector<128x1xf32>, vector<128x1xf32>, vector<128x1xf32>, vector<128x1xf32>, vector<128x1xf32>, vector<128x1xf32>, vector<128x1xf32>, vector<128x1xf32>, vector<128x1xf32>, vector<128x1xf32>, vector<128x1xf32>, vector<128x1xf32>, vector<128x1xf32>, vector<128x1xf32>, vector<128x1xf32>, vector<128x1xf32>, vector<128x1xf32>, vector<128x1xf32>, vector<128x1xf32>, vector<128x1xf32>, vector<128x1xf32>, vector<128x1xf32>, vector<128x1xf32>, vector<128x1xf32>, vector<128x1xf32>, vector<128x1xf32>, vector<128x1xf32>, vector<128x1xf32>, vector<128x1xf32>, vector<128x1xf32>, vector<128x1xf32>, vector<128x1xf32>, vector<128x1xf32> -> vector<10112x1xf32>
    %mul3A = vector.broadcast %concatenate3A : vector<10112x1xf32> to vector<10112x128xf32>
    %mul3A_170 = arith.mulf %get3A_1, %mul3A : vector<10112x128xf32>
    %swap3A = arith.constant 0 : index
    %swap3A_171 = arith.constant 0 : index
    %swap3A_172 = arith.constant 0 : index
    %swap3A_173 = vector.load %arg2[%swap3A, %swap3A_171, %swap3A_172] : memref<2x10112x128xf32, #tpu.memory_space<vmem>>, vector<1x10112x128xf32>
    %swap3A_174 = vector.shape_cast %swap3A_173 : vector<1x10112x128xf32> to vector<10112x128xf32>
    %swap3A_175 = vector.shape_cast %mul3A_170 : vector<10112x128xf32> to vector<1x10112x128xf32>
    tpu.vector_store %arg2[%swap3A, %swap3A_171, %swap3A_172], %swap3A_175 {strides = array<i32>} : memref<2x10112x128xf32, #tpu.memory_space<vmem>>, vector<1x10112x128xf32>,
    %swap3A_176 = arith.constant 1 : index
    %swap3A_177 = arith.constant 0 : index
    %swap3A_178 = arith.constant 0 : index
    %swap3A_179 = vector.load %arg2[%swap3A_176, %swap3A_177, %swap3A_178] : memref<2x10112x128xf32, #tpu.memory_space<vmem>>, vector<1x10112x128xf32>
    %swap3A_180 = vector.shape_cast %swap3A_179 : vector<1x10112x128xf32> to vector<10112x128xf32>
    %swap3A_181 = vector.shape_cast %mul3A_170 : vector<10112x128xf32> to vector<1x10112x128xf32>
    tpu.vector_store %arg2[%swap3A_176, %swap3A_177, %swap3A_178], %swap3A_181 {strides = array<i32>} : memref<2x10112x128xf32, #tpu.memory_space<vmem>>, vector<1x10112x128xf32>,
    return
  }
}

module attributes {stable_mosaic.version = 14 : i64} {
  func.func @_update_body(%arg0: memref<2x79x128xf32, #tpu.memory_space<vmem>>, %arg1: memref<10112x128xf32, #tpu.memory_space<vmem>>, %arg2: memref<10112x128xf32, #tpu.memory_space<vmem>>, %arg3: memref<128x128xf32, #tpu.memory_space<vmem>>, %arg4: memref<1x128xf32, #tpu.memory_space<vmem>>, %arg5: memref<10112x128xf32, #tpu.memory_space<vmem>>) attributes {dimension_semantics = [], scalar_prefetch = 0 : i64, scratch_operands = 0 : i64, tpu.core_type = #tpu.core_type<tc>} {
    %get3A = arith.constant 0 : index
    %get3A_0 = arith.constant 0 : index
    %get3A_1 = vector.load %arg1[%get3A, %get3A_0] : memref<10112x128xf32, #tpu.memory_space<vmem>>, vector<10112x128xf32>
    %get3A_2 = arith.constant 0 : index
    %get3A_3 = arith.constant 0 : index
    %get3A_4 = vector.load %arg2[%get3A_2, %get3A_3] : memref<10112x128xf32, #tpu.memory_space<vmem>>, vector<10112x128xf32>
    %add3A = arith.addf %get3A_1, %get3A_4 : vector<10112x128xf32>
    %get3A_5 = arith.constant 0 : index
    %get3A_6 = arith.constant 0 : index
    %get3A_7 = arith.constant 0 : index
    %get3A_8 = vector.load %arg0[%get3A_5, %get3A_6, %get3A_7] : memref<2x79x128xf32, #tpu.memory_space<vmem>>, vector<1x79x128xf32>
    %get3A_9 = vector.shape_cast %get3A_8 : vector<1x79x128xf32> to vector<79x128xf32>
    %get3A_10 = arith.constant 1 : index
    %get3A_11 = arith.constant 0 : index
    %get3A_12 = arith.constant 0 : index
    %get3A_13 = vector.load %arg0[%get3A_10, %get3A_11, %get3A_12] : memref<2x79x128xf32, #tpu.memory_space<vmem>>, vector<1x79x128xf32>
    %get3A_14 = vector.shape_cast %get3A_13 : vector<1x79x128xf32> to vector<79x128xf32>
    %add3A_15 = arith.addf %get3A_9, %get3A_14 : vector<79x128xf32>
    %max3A = arith.constant 1.000000e+00 : f32
    %max3A_16 = vector.broadcast %max3A : f32 to vector<79x128xf32>
    %max3A_17 = arith.maximumf %add3A_15, %max3A_16 : vector<79x128xf32>
    %rsqrt3A = math.rsqrt %max3A_17 : vector<79x128xf32>
    %slice3A = vector.extract_strided_slice %rsqrt3A {offsets = [0, 0], sizes = [1, 128], strides = [1, 1]} : vector<79x128xf32> to vector<1x128xf32>
    %transpose3A = tpu.transpose %slice3A, [1, 0] : vector<1x128xf32> -> vector<128x1xf32>
    %slice3A_18 = vector.extract_strided_slice %rsqrt3A {offsets = [1, 0], sizes = [1, 128], strides = [1, 1]} : vector<79x128xf32> to vector<1x128xf32>
    %transpose3A_19 = tpu.transpose %slice3A_18, [1, 0] : vector<1x128xf32> -> vector<128x1xf32>
    %slice3A_20 = vector.extract_strided_slice %rsqrt3A {offsets = [2, 0], sizes = [1, 128], strides = [1, 1]} : vector<79x128xf32> to vector<1x128xf32>
    %transpose3A_21 = tpu.transpose %slice3A_20, [1, 0] : vector<1x128xf32> -> vector<128x1xf32>
    %slice3A_22 = vector.extract_strided_slice %rsqrt3A {offsets = [3, 0], sizes = [1, 128], strides = [1, 1]} : vector<79x128xf32> to vector<1x128xf32>
    %transpose3A_23 = tpu.transpose %slice3A_22, [1, 0] : vector<1x128xf32> -> vector<128x1xf32>
    %slice3A_24 = vector.extract_strided_slice %rsqrt3A {offsets = [4, 0], sizes = [1, 128], strides = [1, 1]} : vector<79x128xf32> to vector<1x128xf32>
    %transpose3A_25 = tpu.transpose %slice3A_24, [1, 0] : vector<1x128xf32> -> vector<128x1xf32>
    %slice3A_26 = vector.extract_strided_slice %rsqrt3A {offsets = [5, 0], sizes = [1, 128], strides = [1, 1]} : vector<79x128xf32> to vector<1x128xf32>
    %transpose3A_27 = tpu.transpose %slice3A_26, [1, 0] : vector<1x128xf32> -> vector<128x1xf32>
    %slice3A_28 = vector.extract_strided_slice %rsqrt3A {offsets = [6, 0], sizes = [1, 128], strides = [1, 1]} : vector<79x128xf32> to vector<1x128xf32>
    %transpose3A_29 = tpu.transpose %slice3A_28, [1, 0] : vector<1x128xf32> -> vector<128x1xf32>
    %slice3A_30 = vector.extract_strided_slice %rsqrt3A {offsets = [7, 0], sizes = [1, 128], strides = [1, 1]} : vector<79x128xf32> to vector<1x128xf32>
    %transpose3A_31 = tpu.transpose %slice3A_30, [1, 0] : vector<1x128xf32> -> vector<128x1xf32>
    %slice3A_32 = vector.extract_strided_slice %rsqrt3A {offsets = [8, 0], sizes = [1, 128], strides = [1, 1]} : vector<79x128xf32> to vector<1x128xf32>
    %transpose3A_33 = tpu.transpose %slice3A_32, [1, 0] : vector<1x128xf32> -> vector<128x1xf32>
    %slice3A_34 = vector.extract_strided_slice %rsqrt3A {offsets = [9, 0], sizes = [1, 128], strides = [1, 1]} : vector<79x128xf32> to vector<1x128xf32>
    %transpose3A_35 = tpu.transpose %slice3A_34, [1, 0] : vector<1x128xf32> -> vector<128x1xf32>
    %slice3A_36 = vector.extract_strided_slice %rsqrt3A {offsets = [10, 0], sizes = [1, 128], strides = [1, 1]} : vector<79x128xf32> to vector<1x128xf32>
    %transpose3A_37 = tpu.transpose %slice3A_36, [1, 0] : vector<1x128xf32> -> vector<128x1xf32>
    %slice3A_38 = vector.extract_strided_slice %rsqrt3A {offsets = [11, 0], sizes = [1, 128], strides = [1, 1]} : vector<79x128xf32> to vector<1x128xf32>
    %transpose3A_39 = tpu.transpose %slice3A_38, [1, 0] : vector<1x128xf32> -> vector<128x1xf32>
    %slice3A_40 = vector.extract_strided_slice %rsqrt3A {offsets = [12, 0], sizes = [1, 128], strides = [1, 1]} : vector<79x128xf32> to vector<1x128xf32>
    %transpose3A_41 = tpu.transpose %slice3A_40, [1, 0] : vector<1x128xf32> -> vector<128x1xf32>
    %slice3A_42 = vector.extract_strided_slice %rsqrt3A {offsets = [13, 0], sizes = [1, 128], strides = [1, 1]} : vector<79x128xf32> to vector<1x128xf32>
    %transpose3A_43 = tpu.transpose %slice3A_42, [1, 0] : vector<1x128xf32> -> vector<128x1xf32>
    %slice3A_44 = vector.extract_strided_slice %rsqrt3A {offsets = [14, 0], sizes = [1, 128], strides = [1, 1]} : vector<79x128xf32> to vector<1x128xf32>
    %transpose3A_45 = tpu.transpose %slice3A_44, [1, 0] : vector<1x128xf32> -> vector<128x1xf32>
    %slice3A_46 = vector.extract_strided_slice %rsqrt3A {offsets = [15, 0], sizes = [1, 128], strides = [1, 1]} : vector<79x128xf32> to vector<1x128xf32>
    %transpose3A_47 = tpu.transpose %slice3A_46, [1, 0] : vector<1x128xf32> -> vector<128x1xf32>
    %slice3A_48 = vector.extract_strided_slice %rsqrt3A {offsets = [16, 0], sizes = [1, 128], strides = [1, 1]} : vector<79x128xf32> to vector<1x128xf32>
    %transpose3A_49 = tpu.transpose %slice3A_48, [1, 0] : vector<1x128xf32> -> vector<128x1xf32>
    %slice3A_50 = vector.extract_strided_slice %rsqrt3A {offsets = [17, 0], sizes = [1, 128], strides = [1, 1]} : vector<79x128xf32> to vector<1x128xf32>
    %transpose3A_51 = tpu.transpose %slice3A_50, [1, 0] : vector<1x128xf32> -> vector<128x1xf32>
    %slice3A_52 = vector.extract_strided_slice %rsqrt3A {offsets = [18, 0], sizes = [1, 128], strides = [1, 1]} : vector<79x128xf32> to vector<1x128xf32>
    %transpose3A_53 = tpu.transpose %slice3A_52, [1, 0] : vector<1x128xf32> -> vector<128x1xf32>
    %slice3A_54 = vector.extract_strided_slice %rsqrt3A {offsets = [19, 0], sizes = [1, 128], strides = [1, 1]} : vector<79x128xf32> to vector<1x128xf32>
    %transpose3A_55 = tpu.transpose %slice3A_54, [1, 0] : vector<1x128xf32> -> vector<128x1xf32>
    %slice3A_56 = vector.extract_strided_slice %rsqrt3A {offsets = [20, 0], sizes = [1, 128], strides = [1, 1]} : vector<79x128xf32> to vector<1x128xf32>
    %transpose3A_57 = tpu.transpose %slice3A_56, [1, 0] : vector<1x128xf32> -> vector<128x1xf32>
    %slice3A_58 = vector.extract_strided_slice %rsqrt3A {offsets = [21, 0], sizes = [1, 128], strides = [1, 1]} : vector<79x128xf32> to vector<1x128xf32>
    %transpose3A_59 = tpu.transpose %slice3A_58, [1, 0] : vector<1x128xf32> -> vector<128x1xf32>
    %slice3A_60 = vector.extract_strided_slice %rsqrt3A {offsets = [22, 0], sizes = [1, 128], strides = [1, 1]} : vector<79x128xf32> to vector<1x128xf32>
    %transpose3A_61 = tpu.transpose %slice3A_60, [1, 0] : vector<1x128xf32> -> vector<128x1xf32>
    %slice3A_62 = vector.extract_strided_slice %rsqrt3A {offsets = [23, 0], sizes = [1, 128], strides = [1, 1]} : vector<79x128xf32> to vector<1x128xf32>
    %transpose3A_63 = tpu.transpose %slice3A_62, [1, 0] : vector<1x128xf32> -> vector<128x1xf32>
    %slice3A_64 = vector.extract_strided_slice %rsqrt3A {offsets = [24, 0], sizes = [1, 128], strides = [1, 1]} : vector<79x128xf32> to vector<1x128xf32>
    %transpose3A_65 = tpu.transpose %slice3A_64, [1, 0] : vector<1x128xf32> -> vector<128x1xf32>
    %slice3A_66 = vector.extract_strided_slice %rsqrt3A {offsets = [25, 0], sizes = [1, 128], strides = [1, 1]} : vector<79x128xf32> to vector<1x128xf32>
    %transpose3A_67 = tpu.transpose %slice3A_66, [1, 0] : vector<1x128xf32> -> vector<128x1xf32>
    %slice3A_68 = vector.extract_strided_slice %rsqrt3A {offsets = [26, 0], sizes = [1, 128], strides = [1, 1]} : vector<79x128xf32> to vector<1x128xf32>
    %transpose3A_69 = tpu.transpose %slice3A_68, [1, 0] : vector<1x128xf32> -> vector<128x1xf32>
    %slice3A_70 = vector.extract_strided_slice %rsqrt3A {offsets = [27, 0], sizes = [1, 128], strides = [1, 1]} : vector<79x128xf32> to vector<1x128xf32>
    %transpose3A_71 = tpu.transpose %slice3A_70, [1, 0] : vector<1x128xf32> -> vector<128x1xf32>
    %slice3A_72 = vector.extract_strided_slice %rsqrt3A {offsets = [28, 0], sizes = [1, 128], strides = [1, 1]} : vector<79x128xf32> to vector<1x128xf32>
    %transpose3A_73 = tpu.transpose %slice3A_72, [1, 0] : vector<1x128xf32> -> vector<128x1xf32>
    %slice3A_74 = vector.extract_strided_slice %rsqrt3A {offsets = [29, 0], sizes = [1, 128], strides = [1, 1]} : vector<79x128xf32> to vector<1x128xf32>
    %transpose3A_75 = tpu.transpose %slice3A_74, [1, 0] : vector<1x128xf32> -> vector<128x1xf32>
    %slice3A_76 = vector.extract_strided_slice %rsqrt3A {offsets = [30, 0], sizes = [1, 128], strides = [1, 1]} : vector<79x128xf32> to vector<1x128xf32>
    %transpose3A_77 = tpu.transpose %slice3A_76, [1, 0] : vector<1x128xf32> -> vector<128x1xf32>
    %slice3A_78 = vector.extract_strided_slice %rsqrt3A {offsets = [31, 0], sizes = [1, 128], strides = [1, 1]} : vector<79x128xf32> to vector<1x128xf32>
    %transpose3A_79 = tpu.transpose %slice3A_78, [1, 0] : vector<1x128xf32> -> vector<128x1xf32>
    %slice3A_80 = vector.extract_strided_slice %rsqrt3A {offsets = [32, 0], sizes = [1, 128], strides = [1, 1]} : vector<79x128xf32> to vector<1x128xf32>
    %transpose3A_81 = tpu.transpose %slice3A_80, [1, 0] : vector<1x128xf32> -> vector<128x1xf32>
    %slice3A_82 = vector.extract_strided_slice %rsqrt3A {offsets = [33, 0], sizes = [1, 128], strides = [1, 1]} : vector<79x128xf32> to vector<1x128xf32>
    %transpose3A_83 = tpu.transpose %slice3A_82, [1, 0] : vector<1x128xf32> -> vector<128x1xf32>
    %slice3A_84 = vector.extract_strided_slice %rsqrt3A {offsets = [34, 0], sizes = [1, 128], strides = [1, 1]} : vector<79x128xf32> to vector<1x128xf32>
    %transpose3A_85 = tpu.transpose %slice3A_84, [1, 0] : vector<1x128xf32> -> vector<128x1xf32>
    %slice3A_86 = vector.extract_strided_slice %rsqrt3A {offsets = [35, 0], sizes = [1, 128], strides = [1, 1]} : vector<79x128xf32> to vector<1x128xf32>
    %transpose3A_87 = tpu.transpose %slice3A_86, [1, 0] : vector<1x128xf32> -> vector<128x1xf32>
    %slice3A_88 = vector.extract_strided_slice %rsqrt3A {offsets = [36, 0], sizes = [1, 128], strides = [1, 1]} : vector<79x128xf32> to vector<1x128xf32>
    %transpose3A_89 = tpu.transpose %slice3A_88, [1, 0] : vector<1x128xf32> -> vector<128x1xf32>
    %slice3A_90 = vector.extract_strided_slice %rsqrt3A {offsets = [37, 0], sizes = [1, 128], strides = [1, 1]} : vector<79x128xf32> to vector<1x128xf32>
    %transpose3A_91 = tpu.transpose %slice3A_90, [1, 0] : vector<1x128xf32> -> vector<128x1xf32>
    %slice3A_92 = vector.extract_strided_slice %rsqrt3A {offsets = [38, 0], sizes = [1, 128], strides = [1, 1]} : vector<79x128xf32> to vector<1x128xf32>
    %transpose3A_93 = tpu.transpose %slice3A_92, [1, 0] : vector<1x128xf32> -> vector<128x1xf32>
    %slice3A_94 = vector.extract_strided_slice %rsqrt3A {offsets = [39, 0], sizes = [1, 128], strides = [1, 1]} : vector<79x128xf32> to vector<1x128xf32>
    %transpose3A_95 = tpu.transpose %slice3A_94, [1, 0] : vector<1x128xf32> -> vector<128x1xf32>
    %slice3A_96 = vector.extract_strided_slice %rsqrt3A {offsets = [40, 0], sizes = [1, 128], strides = [1, 1]} : vector<79x128xf32> to vector<1x128xf32>
    %transpose3A_97 = tpu.transpose %slice3A_96, [1, 0] : vector<1x128xf32> -> vector<128x1xf32>
    %slice3A_98 = vector.extract_strided_slice %rsqrt3A {offsets = [41, 0], sizes = [1, 128], strides = [1, 1]} : vector<79x128xf32> to vector<1x128xf32>
    %transpose3A_99 = tpu.transpose %slice3A_98, [1, 0] : vector<1x128xf32> -> vector<128x1xf32>
    %slice3A_100 = vector.extract_strided_slice %rsqrt3A {offsets = [42, 0], sizes = [1, 128], strides = [1, 1]} : vector<79x128xf32> to vector<1x128xf32>
    %transpose3A_101 = tpu.transpose %slice3A_100, [1, 0] : vector<1x128xf32> -> vector<128x1xf32>
    %slice3A_102 = vector.extract_strided_slice %rsqrt3A {offsets = [43, 0], sizes = [1, 128], strides = [1, 1]} : vector<79x128xf32> to vector<1x128xf32>
    %transpose3A_103 = tpu.transpose %slice3A_102, [1, 0] : vector<1x128xf32> -> vector<128x1xf32>
    %slice3A_104 = vector.extract_strided_slice %rsqrt3A {offsets = [44, 0], sizes = [1, 128], strides = [1, 1]} : vector<79x128xf32> to vector<1x128xf32>
    %transpose3A_105 = tpu.transpose %slice3A_104, [1, 0] : vector<1x128xf32> -> vector<128x1xf32>
    %slice3A_106 = vector.extract_strided_slice %rsqrt3A {offsets = [45, 0], sizes = [1, 128], strides = [1, 1]} : vector<79x128xf32> to vector<1x128xf32>
    %transpose3A_107 = tpu.transpose %slice3A_106, [1, 0] : vector<1x128xf32> -> vector<128x1xf32>
    %slice3A_108 = vector.extract_strided_slice %rsqrt3A {offsets = [46, 0], sizes = [1, 128], strides = [1, 1]} : vector<79x128xf32> to vector<1x128xf32>
    %transpose3A_109 = tpu.transpose %slice3A_108, [1, 0] : vector<1x128xf32> -> vector<128x1xf32>
    %slice3A_110 = vector.extract_strided_slice %rsqrt3A {offsets = [47, 0], sizes = [1, 128], strides = [1, 1]} : vector<79x128xf32> to vector<1x128xf32>
    %transpose3A_111 = tpu.transpose %slice3A_110, [1, 0] : vector<1x128xf32> -> vector<128x1xf32>
    %slice3A_112 = vector.extract_strided_slice %rsqrt3A {offsets = [48, 0], sizes = [1, 128], strides = [1, 1]} : vector<79x128xf32> to vector<1x128xf32>
    %transpose3A_113 = tpu.transpose %slice3A_112, [1, 0] : vector<1x128xf32> -> vector<128x1xf32>
    %slice3A_114 = vector.extract_strided_slice %rsqrt3A {offsets = [49, 0], sizes = [1, 128], strides = [1, 1]} : vector<79x128xf32> to vector<1x128xf32>
    %transpose3A_115 = tpu.transpose %slice3A_114, [1, 0] : vector<1x128xf32> -> vector<128x1xf32>
    %slice3A_116 = vector.extract_strided_slice %rsqrt3A {offsets = [50, 0], sizes = [1, 128], strides = [1, 1]} : vector<79x128xf32> to vector<1x128xf32>
    %transpose3A_117 = tpu.transpose %slice3A_116, [1, 0] : vector<1x128xf32> -> vector<128x1xf32>
    %slice3A_118 = vector.extract_strided_slice %rsqrt3A {offsets = [51, 0], sizes = [1, 128], strides = [1, 1]} : vector<79x128xf32> to vector<1x128xf32>
    %transpose3A_119 = tpu.transpose %slice3A_118, [1, 0] : vector<1x128xf32> -> vector<128x1xf32>
    %slice3A_120 = vector.extract_strided_slice %rsqrt3A {offsets = [52, 0], sizes = [1, 128], strides = [1, 1]} : vector<79x128xf32> to vector<1x128xf32>
    %transpose3A_121 = tpu.transpose %slice3A_120, [1, 0] : vector<1x128xf32> -> vector<128x1xf32>
    %slice3A_122 = vector.extract_strided_slice %rsqrt3A {offsets = [53, 0], sizes = [1, 128], strides = [1, 1]} : vector<79x128xf32> to vector<1x128xf32>
    %transpose3A_123 = tpu.transpose %slice3A_122, [1, 0] : vector<1x128xf32> -> vector<128x1xf32>
    %slice3A_124 = vector.extract_strided_slice %rsqrt3A {offsets = [54, 0], sizes = [1, 128], strides = [1, 1]} : vector<79x128xf32> to vector<1x128xf32>
    %transpose3A_125 = tpu.transpose %slice3A_124, [1, 0] : vector<1x128xf32> -> vector<128x1xf32>
    %slice3A_126 = vector.extract_strided_slice %rsqrt3A {offsets = [55, 0], sizes = [1, 128], strides = [1, 1]} : vector<79x128xf32> to vector<1x128xf32>
    %transpose3A_127 = tpu.transpose %slice3A_126, [1, 0] : vector<1x128xf32> -> vector<128x1xf32>
    %slice3A_128 = vector.extract_strided_slice %rsqrt3A {offsets = [56, 0], sizes = [1, 128], strides = [1, 1]} : vector<79x128xf32> to vector<1x128xf32>
    %transpose3A_129 = tpu.transpose %slice3A_128, [1, 0] : vector<1x128xf32> -> vector<128x1xf32>
    %slice3A_130 = vector.extract_strided_slice %rsqrt3A {offsets = [57, 0], sizes = [1, 128], strides = [1, 1]} : vector<79x128xf32> to vector<1x128xf32>
    %transpose3A_131 = tpu.transpose %slice3A_130, [1, 0] : vector<1x128xf32> -> vector<128x1xf32>
    %slice3A_132 = vector.extract_strided_slice %rsqrt3A {offsets = [58, 0], sizes = [1, 128], strides = [1, 1]} : vector<79x128xf32> to vector<1x128xf32>
    %transpose3A_133 = tpu.transpose %slice3A_132, [1, 0] : vector<1x128xf32> -> vector<128x1xf32>
    %slice3A_134 = vector.extract_strided_slice %rsqrt3A {offsets = [59, 0], sizes = [1, 128], strides = [1, 1]} : vector<79x128xf32> to vector<1x128xf32>
    %transpose3A_135 = tpu.transpose %slice3A_134, [1, 0] : vector<1x128xf32> -> vector<128x1xf32>
    %slice3A_136 = vector.extract_strided_slice %rsqrt3A {offsets = [60, 0], sizes = [1, 128], strides = [1, 1]} : vector<79x128xf32> to vector<1x128xf32>
    %transpose3A_137 = tpu.transpose %slice3A_136, [1, 0] : vector<1x128xf32> -> vector<128x1xf32>
    %slice3A_138 = vector.extract_strided_slice %rsqrt3A {offsets = [61, 0], sizes = [1, 128], strides = [1, 1]} : vector<79x128xf32> to vector<1x128xf32>
    %transpose3A_139 = tpu.transpose %slice3A_138, [1, 0] : vector<1x128xf32> -> vector<128x1xf32>
    %slice3A_140 = vector.extract_strided_slice %rsqrt3A {offsets = [62, 0], sizes = [1, 128], strides = [1, 1]} : vector<79x128xf32> to vector<1x128xf32>
    %transpose3A_141 = tpu.transpose %slice3A_140, [1, 0] : vector<1x128xf32> -> vector<128x1xf32>
    %slice3A_142 = vector.extract_strided_slice %rsqrt3A {offsets = [63, 0], sizes = [1, 128], strides = [1, 1]} : vector<79x128xf32> to vector<1x128xf32>
    %transpose3A_143 = tpu.transpose %slice3A_142, [1, 0] : vector<1x128xf32> -> vector<128x1xf32>
    %slice3A_144 = vector.extract_strided_slice %rsqrt3A {offsets = [64, 0], sizes = [1, 128], strides = [1, 1]} : vector<79x128xf32> to vector<1x128xf32>
    %transpose3A_145 = tpu.transpose %slice3A_144, [1, 0] : vector<1x128xf32> -> vector<128x1xf32>
    %slice3A_146 = vector.extract_strided_slice %rsqrt3A {offsets = [65, 0], sizes = [1, 128], strides = [1, 1]} : vector<79x128xf32> to vector<1x128xf32>
    %transpose3A_147 = tpu.transpose %slice3A_146, [1, 0] : vector<1x128xf32> -> vector<128x1xf32>
    %slice3A_148 = vector.extract_strided_slice %rsqrt3A {offsets = [66, 0], sizes = [1, 128], strides = [1, 1]} : vector<79x128xf32> to vector<1x128xf32>
    %transpose3A_149 = tpu.transpose %slice3A_148, [1, 0] : vector<1x128xf32> -> vector<128x1xf32>
    %slice3A_150 = vector.extract_strided_slice %rsqrt3A {offsets = [67, 0], sizes = [1, 128], strides = [1, 1]} : vector<79x128xf32> to vector<1x128xf32>
    %transpose3A_151 = tpu.transpose %slice3A_150, [1, 0] : vector<1x128xf32> -> vector<128x1xf32>
    %slice3A_152 = vector.extract_strided_slice %rsqrt3A {offsets = [68, 0], sizes = [1, 128], strides = [1, 1]} : vector<79x128xf32> to vector<1x128xf32>
    %transpose3A_153 = tpu.transpose %slice3A_152, [1, 0] : vector<1x128xf32> -> vector<128x1xf32>
    %slice3A_154 = vector.extract_strided_slice %rsqrt3A {offsets = [69, 0], sizes = [1, 128], strides = [1, 1]} : vector<79x128xf32> to vector<1x128xf32>
    %transpose3A_155 = tpu.transpose %slice3A_154, [1, 0] : vector<1x128xf32> -> vector<128x1xf32>
    %slice3A_156 = vector.extract_strided_slice %rsqrt3A {offsets = [70, 0], sizes = [1, 128], strides = [1, 1]} : vector<79x128xf32> to vector<1x128xf32>
    %transpose3A_157 = tpu.transpose %slice3A_156, [1, 0] : vector<1x128xf32> -> vector<128x1xf32>
    %slice3A_158 = vector.extract_strided_slice %rsqrt3A {offsets = [71, 0], sizes = [1, 128], strides = [1, 1]} : vector<79x128xf32> to vector<1x128xf32>
    %transpose3A_159 = tpu.transpose %slice3A_158, [1, 0] : vector<1x128xf32> -> vector<128x1xf32>
    %slice3A_160 = vector.extract_strided_slice %rsqrt3A {offsets = [72, 0], sizes = [1, 128], strides = [1, 1]} : vector<79x128xf32> to vector<1x128xf32>
    %transpose3A_161 = tpu.transpose %slice3A_160, [1, 0] : vector<1x128xf32> -> vector<128x1xf32>
    %slice3A_162 = vector.extract_strided_slice %rsqrt3A {offsets = [73, 0], sizes = [1, 128], strides = [1, 1]} : vector<79x128xf32> to vector<1x128xf32>
    %transpose3A_163 = tpu.transpose %slice3A_162, [1, 0] : vector<1x128xf32> -> vector<128x1xf32>
    %slice3A_164 = vector.extract_strided_slice %rsqrt3A {offsets = [74, 0], sizes = [1, 128], strides = [1, 1]} : vector<79x128xf32> to vector<1x128xf32>
    %transpose3A_165 = tpu.transpose %slice3A_164, [1, 0] : vector<1x128xf32> -> vector<128x1xf32>
    %slice3A_166 = vector.extract_strided_slice %rsqrt3A {offsets = [75, 0], sizes = [1, 128], strides = [1, 1]} : vector<79x128xf32> to vector<1x128xf32>
    %transpose3A_167 = tpu.transpose %slice3A_166, [1, 0] : vector<1x128xf32> -> vector<128x1xf32>
    %slice3A_168 = vector.extract_strided_slice %rsqrt3A {offsets = [76, 0], sizes = [1, 128], strides = [1, 1]} : vector<79x128xf32> to vector<1x128xf32>
    %transpose3A_169 = tpu.transpose %slice3A_168, [1, 0] : vector<1x128xf32> -> vector<128x1xf32>
    %slice3A_170 = vector.extract_strided_slice %rsqrt3A {offsets = [77, 0], sizes = [1, 128], strides = [1, 1]} : vector<79x128xf32> to vector<1x128xf32>
    %transpose3A_171 = tpu.transpose %slice3A_170, [1, 0] : vector<1x128xf32> -> vector<128x1xf32>
    %slice3A_172 = vector.extract_strided_slice %rsqrt3A {offsets = [78, 0], sizes = [1, 128], strides = [1, 1]} : vector<79x128xf32> to vector<1x128xf32>
    %transpose3A_173 = tpu.transpose %slice3A_172, [1, 0] : vector<1x128xf32> -> vector<128x1xf32>
    %concatenate3A = tpu.concatenate %transpose3A, %transpose3A_19, %transpose3A_21, %transpose3A_23, %transpose3A_25, %transpose3A_27, %transpose3A_29, %transpose3A_31, %transpose3A_33, %transpose3A_35, %transpose3A_37, %transpose3A_39, %transpose3A_41, %transpose3A_43, %transpose3A_45, %transpose3A_47, %transpose3A_49, %transpose3A_51, %transpose3A_53, %transpose3A_55, %transpose3A_57, %transpose3A_59, %transpose3A_61, %transpose3A_63, %transpose3A_65, %transpose3A_67, %transpose3A_69, %transpose3A_71, %transpose3A_73, %transpose3A_75, %transpose3A_77, %transpose3A_79, %transpose3A_81, %transpose3A_83, %transpose3A_85, %transpose3A_87, %transpose3A_89, %transpose3A_91, %transpose3A_93, %transpose3A_95, %transpose3A_97, %transpose3A_99, %transpose3A_101, %transpose3A_103, %transpose3A_105, %transpose3A_107, %transpose3A_109, %transpose3A_111, %transpose3A_113, %transpose3A_115, %transpose3A_117, %transpose3A_119, %transpose3A_121, %transpose3A_123, %transpose3A_125, %transpose3A_127, %transpose3A_129, %transpose3A_131, %transpose3A_133, %transpose3A_135, %transpose3A_137, %transpose3A_139, %transpose3A_141, %transpose3A_143, %transpose3A_145, %transpose3A_147, %transpose3A_149, %transpose3A_151, %transpose3A_153, %transpose3A_155, %transpose3A_157, %transpose3A_159, %transpose3A_161, %transpose3A_163, %transpose3A_165, %transpose3A_167, %transpose3A_169, %transpose3A_171, %transpose3A_173 in 0 : vector<128x1xf32>, vector<128x1xf32>, vector<128x1xf32>, vector<128x1xf32>, vector<128x1xf32>, vector<128x1xf32>, vector<128x1xf32>, vector<128x1xf32>, vector<128x1xf32>, vector<128x1xf32>, vector<128x1xf32>, vector<128x1xf32>, vector<128x1xf32>, vector<128x1xf32>, vector<128x1xf32>, vector<128x1xf32>, vector<128x1xf32>, vector<128x1xf32>, vector<128x1xf32>, vector<128x1xf32>, vector<128x1xf32>, vector<128x1xf32>, vector<128x1xf32>, vector<128x1xf32>, vector<128x1xf32>, vector<128x1xf32>, vector<128x1xf32>, vector<128x1xf32>, vector<128x1xf32>, vector<128x1xf32>, vector<128x1xf32>, vector<128x1xf32>, vector<128x1xf32>, vector<128x1xf32>, vector<128x1xf32>, vector<128x1xf32>, vector<128x1xf32>, vector<128x1xf32>, vector<128x1xf32>, vector<128x1xf32>, vector<128x1xf32>, vector<128x1xf32>, vector<128x1xf32>, vector<128x1xf32>, vector<128x1xf32>, vector<128x1xf32>, vector<128x1xf32>, vector<128x1xf32>, vector<128x1xf32>, vector<128x1xf32>, vector<128x1xf32>, vector<128x1xf32>, vector<128x1xf32>, vector<128x1xf32>, vector<128x1xf32>, vector<128x1xf32>, vector<128x1xf32>, vector<128x1xf32>, vector<128x1xf32>, vector<128x1xf32>, vector<128x1xf32>, vector<128x1xf32>, vector<128x1xf32>, vector<128x1xf32>, vector<128x1xf32>, vector<128x1xf32>, vector<128x1xf32>, vector<128x1xf32>, vector<128x1xf32>, vector<128x1xf32>, vector<128x1xf32>, vector<128x1xf32>, vector<128x1xf32>, vector<128x1xf32>, vector<128x1xf32>, vector<128x1xf32>, vector<128x1xf32>, vector<128x1xf32>, vector<128x1xf32> -> vector<10112x1xf32>
    %mul3A = vector.broadcast %concatenate3A : vector<10112x1xf32> to vector<10112x128xf32>
    %mul3A_174 = arith.mulf %add3A, %mul3A : vector<10112x128xf32>
    %get3A_175 = arith.constant 0 : index
    %get3A_176 = arith.constant 0 : index
    %get3A_177 = vector.load %arg3[%get3A_175, %get3A_176] : memref<128x128xf32, #tpu.memory_space<vmem>>, vector<128x128xf32>
    %dot_general3A = arith.constant dense<0.000000e+00> : vector<10112x128xf32>
    %dot_general3A_178 = tpu.matmul %mul3A_174, %get3A_177, %dot_general3A {dimension_numbers = #tpu.dot_dimension_numbers<[1], [1], [0], [0], [0, 0, 1, 0], [], []>, transpose_lhs_hint = false} : vector<10112x128xf32>, vector<128x128xf32>, vector<10112x128xf32> -> vector<10112x128xf32>
    %get3A_179 = arith.constant 0 : index
    %get3A_180 = arith.constant 0 : index
    %get3A_181 = vector.load %arg4[%get3A_179, %get3A_180] : memref<1x128xf32, #tpu.memory_space<vmem>>, vector<1x128xf32>
    %add3A_182 = vector.broadcast %get3A_181 : vector<1x128xf32> to vector<10112x128xf32>
    %add3A_183 = arith.addf %dot_general3A_178, %add3A_182 : vector<10112x128xf32>
    %swap3A = arith.constant 0 : index
    %swap3A_184 = arith.constant 0 : index
    %swap3A_185 = vector.load %arg5[%swap3A, %swap3A_184] : memref<10112x128xf32, #tpu.memory_space<vmem>>, vector<10112x128xf32>
    tpu.vector_store %arg5[%swap3A, %swap3A_184], %add3A_183 {strides = array<i32>} : memref<10112x128xf32, #tpu.memory_space<vmem>>, vector<10112x128xf32>,
    return
  }
}

</mosaic_0001>

<sc_bundles>
// kernel: kernel.6.cloned.1.call-start
scs
__scs_entry_jumppad:
0x0: {  	(pc) =	sbr.rel $0x88, $3  }
0x1: {  	(tag) =	ssettag $0x0;
	lr =	simm.s32 $0x1  }
0x2: {  	[smem:$0x3F9D] =	sst lr;
	_ =	strace $0xD0000000  }
0x3: {  	_ = 	snop  }
0x4: {  	_ = 	snop  }
0x5: {  	_ = 	snop  }
0x6: {  	_ = 	snop  }
0x7: {  	_ = 	snop  }
__scs_overlays_trampoline_lowered:
0x8: {  	[smem:$0x3FAC] =	sst s0  }
0x9: {  	[smem:$0x3FAD] =	sst s1  }
0xa: {  	[smem:$0x3FAE] =	sst s2  }
0xb: {  	[smem:$0x3FAF] =	sst s3  }
0xc: {  	[smem:$0x3FB0] =	sst s4  }
0xd: {  	[smem:$0x3FB1] =	sst s5  }
0xe: {  	[smem:$0x3FB2] =	sst s6  }
0xf: {  	[smem:$0x3FB3] =	sst s7  }
0x10: {  	[smem:$0x3FB4] =	sst s8  }
0x11: {  	[smem:$0x3FB5] =	sst s9;
	s0 =	simm.s32 @!p0 $0x0  }
0x12: {  	s1 =	sld [smem:$0x3F9B];
	s0 =	simm.s32 @p0 $0x1  }
0x13: {  	[smem:$0x3FB6] =	sst s0;
	s0 =	simm.s32 @!p1 $0x0  }
0x14: {  	s2 =	sld [smem:$0x3F9A];
	s0 =	simm.s32 @p1 $0x1  }
0x15: {  	[smem:$0x3FB7] =	sst s0;
	s0 =	simm.s32 @!p2 $0x0  }
0x16: {  	s3 =	sld [smem:$0x3FDB];
	s0 =	simm.s32 @p2 $0x1  }
0x17: {  	s4 =	simm.s32 $0x1BF5;
	[smem:$0x3FB9] =	sst s0  }
0x18: {  	s0 =	sld [smem:$0x3F9C];
	_ =	swait.ge [sflag:s4], $0x0  }
0x19: {  	s7 =	sld [smem:$0x3F9D]  }
0x1a: {  	s8 =	sadd.s32 $0xFFFFE003, lr  }
0x1b: {  	s9 =	sadd.s32 $0xFFFFFEF7, lr;
	s5 =	simm.s32 $0xFFFFFFFF;
	p2 =	slt.u32 s8, $0xFFFFF086  }
0x1c: {  	p1 =	slt.u32 s9, $0xF7A;
	s5 =	simm.s32 @!p2 $0x0  }
0x1d: {  	s5 =	simm.s32 @p1 $0x1;
	p0 =	seq.s32 s7, s2  }
0x1e: {  	s7 =	smul.u32 @!p0 $0xF7A, s2;
	p2 =	seq.s32 @!p0 s5, $0x0  }
0x1f: {  	s9 =	smul.u32 $0xF7A, s1;
	s8 =	simm.s32 @!p0 $0x1BF5;
	p2 =	por !p2, p0  }
0x20: {  	[sflag:s8] =	ssyncset.s32 @!p0 $0xFFFFF086;
	s6 =	sadd.s32 @!p0 s3, s7;
	s7 =	simm.s32 @!p0 $0x108  }
0x21: {  	s3 =	sadd.s32 s3, s9;
	s6 =	sadd.s32 @!p0 $0x88, s6;
	s7 =	simm.s32 @p2 $0x1082  }
0x22: {  	[simem:s7], [sflag:s8] =	dma.local @!p0 [hbm:s6], $0xF7A  }
0x23: {  	s9 =	sor.u32 $0xD0000000, s2;
	s6 =	simm.s32 $0x108;
	_ =	swait.ge @!p0 [sflag:s8], $0x0  }
0x24: {  	s3 =	sadd.s32 $0x88, s3;
	s6 =	simm.s32 @!p1 $0x1082;
	[sflag:s4] =	ssyncset.s32 $0xFFFFF086  }
0x25: {  	[simem:s6], [sflag:s4] =	dma.local [hbm:s3], $0xF7A  }
0x26: {  	[smem:$0x3F9D] =	sst s1;
	(tag) =	ssettag s2;
	_ =	strace s9  }
0x27: {  	s1 =	sld [smem:$0x3FAD]  }
0x28: {  	s2 =	sld [smem:$0x3FAE]  }
0x29: {  	s4 =	sld [smem:$0x3FB0]  }
0x2a: {  	p0 =	seq.s32 s5, $0x0;
	s5 =	sld [smem:$0x3FB1]  }
0x2b: {  	s6 =	sld [smem:$0x3FB2]  }
0x2c: {  	s7 =	sld [smem:$0x3FB3]  }
0x2d: {  	s3 =	simm.s32 $0x108;
	s8 =	sld [smem:$0x3FB4]  }
0x2e: {  	s3 =	simm.s32 @!p0 $0x1082;
	s9 =	sld [smem:$0x3FB5]  }
0x2f: {  	lr =	sadd.s32 s0, s3;
	s0 =	sld [smem:$0x3FAC]  }
0x30: {  	s3 =	sld [smem:$0x3FAF]  }
0x31: {  	[smem:$0x3FB8] =	sst s10  }
0x32: {  	s10 =	sld [smem:$0x3FB6];
	_ =	sdelay $0x3  }
0x33: {  	p0 =	seq.s32 s10, $0x1;
	s10 =	sld [smem:$0x3FB8];
	_ =	sdelay $0x3  }
0x34: {  	[smem:$0x3FB8] =	sst s10  }
0x35: {  	s10 =	sld [smem:$0x3FB7];
	_ =	sdelay $0x3  }
0x36: {  	p1 =	seq.s32 s10, $0x1;
	s10 =	sld [smem:$0x3FB8];
	_ =	sdelay $0x3  }
0x37: {  	[smem:$0x3FB8] =	sst s10  }
0x38: {  	s10 =	sld [smem:$0x3FB9]  }
0x39: {  	_ = 	snop;
	(pc) =	sbr.ind lr, $3  }
0x3a: {  	_ = 	snop  }
0x3b: {  	_ = 	snop  }
0x3c: {  	p2 =	seq.s32 s10, $0x1;
	s10 =	sld [smem:$0x3FB8]  }
0x3d: {  	_ =	shalt  }
0x3e: {  	_ =	shalt  }
0x3f: {  	_ =	shalt  }
0x40: {  	_ =	shalt  }
0x41: {  	_ =	shalt  }
0x42: {  	_ =	shalt  }
0x43: {  	_ =	shalt  }
0x44: {  	_ =	shalt  }
0x45: {  	_ =	shalt  }
0x46: {  	_ =	shalt  }
0x47: {  	_ =	shalt  }
0x48: {  	_ =	shalt  }
0x49: {  	_ =	shalt  }
0x4a: {  	_ =	shalt  }
0x4b: {  	_ =	shalt  }
0x4c: {  	_ =	shalt  }
0x4d: {  	_ =	shalt  }
0x4e: {  	_ =	shalt  }
0x4f: {  	_ =	shalt  }
0x50: {  	_ =	shalt  }
0x51: {  	_ =	shalt  }
0x52: {  	_ =	shalt  }
0x53: {  	_ =	shalt  }
0x54: {  	_ =	shalt  }
0x55: {  	_ =	shalt  }
0x56: {  	_ =	shalt  }
0x57: {  	_ =	shalt  }
0x58: {  	_ =	shalt  }
0x59: {  	_ =	shalt  }
0x5a: {  	_ =	shalt  }
0x5b: {  	_ =	shalt  }
0x5c: {  	_ =	shalt  }
0x5d: {  	_ =	shalt  }
0x5e: {  	_ =	shalt  }
0x5f: {  	_ =	shalt  }
0x60: {  	_ =	shalt  }
0x61: {  	_ =	shalt  }
0x62: {  	_ =	shalt  }
0x63: {  	_ =	shalt  }
0x64: {  	_ =	shalt  }
0x65: {  	_ =	shalt  }
0x66: {  	_ =	shalt  }
0x67: {  	_ =	shalt  }
0x68: {  	_ =	shalt  }
0x69: {  	_ =	shalt  }
0x6a: {  	_ =	shalt  }
0x6b: {  	_ =	shalt  }
0x6c: {  	_ =	shalt  }
0x6d: {  	_ =	shalt  }
0x6e: {  	_ =	shalt  }
0x6f: {  	_ =	shalt  }
0x70: {  	_ =	shalt  }
0x71: {  	_ =	shalt  }
0x72: {  	_ =	shalt  }
0x73: {  	_ =	shalt  }
0x74: {  	_ =	shalt  }
0x75: {  	_ =	shalt  }
0x76: {  	_ =	shalt  }
0x77: {  	_ =	shalt  }
0x78: {  	_ =	shalt  }
0x79: {  	_ =	shalt  }
0x7a: {  	_ =	shalt  }
0x7b: {  	_ =	shalt  }
0x7c: {  	_ =	shalt  }
0x7d: {  	_ =	shalt  }
0x7e: {  	_ =	shalt  }
0x7f: {  	_ =	shalt  }
0x80: {  	_ =	shalt  }
0x81: {  	_ =	shalt  }
0x82: {  	_ =	shalt  }
0x83: {  	_ =	shalt  }
0x84: {  	_ =	shalt  }
0x85: {  	_ =	shalt  }
0x86: {  	_ =	shalt  }
0x87: {  	_ =	shalt  }
.Lfunc_end0:
.L_simem_size_0:
called_computation_lowered:
.L_overlay_start_0:
0x88: {  	s2 =	sld [smem:$0x3FD9]  }
0x89: {  	s3 =	sld [smem:$0x3FFE];
	_ =	sdelay $0x1  }
0x8a: {  	s1 =	srdreg.scid  }
0x8b: {  	s0 =	sand.u32 $0x1, s1  }
0x8c: {  	s17 =	sshll.u32 s0, $0xA;
	s2 =	sadd.s32 s3, s2  }
0x8d: {  	s2 =	sadd.s32 s2, s17  }
0x8e: {  	[smem:$0x3FC4] =	sst s2  }
0x8f: {  	_ = 	snop  }
0x90: {  	s2 =	sld [smem:$0x3FD0];
	(tm) =	ssettm $0x1  }
0x91: {  	s18 =	sld [smem:$0x3FFB];
	_ =	sdelay $0x3  }
0x92: {  	_ =	strace s18  }
0x93: {  	s3 =	sld [smem:$0x3FFC];
	_ =	sdelay $0x3  }
0x94: {  	_ =	strace s3  }
0x95: {  	s3 =	sld [smem:$0x3FFD];
	_ =	sdelay $0x3  }
0x96: {  	_ =	strace s3  }
0x97: {  	_ =	strace $0x8FFFFFFF  }
0x98: {  	s19 =	sld [smem:$0x3FDB];
	_ =	sdelay $0x1  }
0x99: {  	s4 =	simm.s32 $_scs_section_size  }
0x9a: {  	s5 =	simm.s32 $_size__tile_overlayer_lowered;
	s6 =	simm.s32 $_tile_overlayer_lowered  }
0x9b: {  	s22 =	simm.s32 $0x1BFF;
	s21 =	sshll.u32 s6, $0x1;
	s3 =	sadd.s32 s4, s19  }
0x9c: {  	s7 =	simm.s32 $0x0;
	s20 =	sshll.u32 s5, $0x1;
	s5 =	sadd.s32 s21, s3  }
0x9d: {  	[timem:s7], [sflag:s22] =	dma.local [hbm:s5], s20  }
0x9e: {  	_ =	swait.ge [sflag:s22], s20  }
0x9f: {  	s4 =	ssub.s32 $0x0, s20;
	[sflag:s22] =	ssyncset.done $0x0  }
0xa0: {  	[sflag:s22] =	ssyncadd.s32 s4;
	_ =	sdelay $0x1  }
0xa1: {  	s23 =	simm.s32 $0x1B8B  }
0xa2: {  	_ =	swait.ge [sflag:s23], $0x1  }
0xa3: {  	[sflag:s23] =	ssyncset.done $0x0  }
0xa4: {  	s25 =	simm.s32 $0x1B8E;
	s24 =	sld [smem:$0x3FFE];
	[sflag:s23] =	ssyncadd.s32 $0xFFFFFFFF  }
0xa5: {  	s26 =	simm.s32 $execute0_lowered;
	[smem:$0x3FD2] =	sst s25  }
0xa6: {  	s5 =	sshll.u32 s26, $0x1;
	_ =	strace $0x80000046;
	[dreg:$0x1] =	wrdreg $0xFFFFFFFF  }
0xa7: {  	s28 =	simm.s32 $_size_execute0_lowered;
	s3 =	sadd.s32 s3, s5;
	[dreg:$0x0] =	wrdreg $0x0  }
0xa8: {  	s5 =	sshll.u32 s28, $0x1;
	[dreg:$0x2] =	wrdreg s3  }
0xa9: {  	[dreg:$0x3] =	wrdreg s5  }
0xaa: {  	[dreg:$0x4] =	wrdreg $0xC0  }
0xab: {  	_ =	task [dreg:s7], $0x5FFFF  }
0xac: {  	[dreg:$0x1] =	wrdreg $0xFFFFFFFF  }
0xad: {  	[dreg:$0x0] =	wrdreg $0x60  }
0xae: {  	[dreg:$0x2] =	wrdreg s2  }
0xaf: {  	[dreg:$0x3] =	wrdreg s24  }
0xb0: {  	[dreg:$0x4] =	wrdreg $0x50800  }
0xb1: {  	[dreg:$0x5] =	wrdreg $0x9  }
0xb2: {  	_ =	task.clear_ibuf [dreg:s7], $0x6FFFF;
	_ =	strace $0x90000046  }
0xb3: {  	s29 =	simm.s32 $0x9;
	_ =	strace $0x80000048  }
0xb4: {  	_ =	swait.ge [sflag:s29], $0x1  }
0xb5: {  	[sflag:s29] =	ssyncadd.s32 $0xFFFFFFFF  }
0xb6: {  	_ =	strace $0x90000048  }
0xb7: {  	_ =	sfence  }
0xb8: {  	s30 =	sld [smem:$0x0];
	_ =	sdelay $0x2  }
0xb9: {  	s31 =	sshll.u32 s1, $0xD;
	s1 =	sshrl.u32 s1, $0x2  }
0xba: {  	s3 =	sand.u32 $0x4000, s31;
	s1 =	sadd.s32 s1, s30  }
0xbb: {  	s0 =	sor.u32 s3, s0;
	s1 =	sshll.u32 s1, $0x11  }
0xbc: {  	s0 =	sor.u32 s1, s0  }
0xbd: {  	s0 =	sadd.s32 $0x8F2B, s0  }
0xbe: {  	[sflag:s0] =	ssyncadd.remote.s32 $0x1  }
0xbf: {  	_ =	sfence.sel $0xFFFF  }
0xc0: {  	[dreg:$0x0] =	wrdreg $0xFFFFFFFF;
	(pc) =	sbr.abs _section_cstart, $3  }
0xc1: {  	[dreg:$0x1] =	wrdreg $0xFFFFFFFF  }
0xc2: {  	_ =	task.clear_ibuf [dreg:s7], $0x2FFFF;
	_ =	strace $0x9FFFFFFF  }
0xc3: {  	(tm) =	ssettm $0x7FFFFFFF  }
tec
execute0_lowered:
.L_overlay_start_1:
0x0: {  	(tag) =	ssettag $0x1  }
0x1: {  	s5 =	rddreg [dreg:$0x0]  }
0x2: {  	s6 =	rddreg [dreg:$0x1]  }
0x3: {  	s1 =	rddreg [dreg:$0x2];
	s2 =	srdreg.scid  }
0x4: {  	s0 =	rddreg [dreg:$0x3];
	s8 =	stileid.u32  }
0x5: {  	s12 =	simm.s32 $0x4F;
	s13 =	simm.s32 $0x0;
	s3 =	sand.u32 $0x1, s2  }
0x6: {  	s2 =	simm.s32 $0x0;
	p0 =	sne.s32 s8, $0x0;
	s4 =	sshll.u32 s3, $0x4  }
0x7: {  	[smem:$0x7FF] =	sst s2;
	s7 =	smul.u32 $0x500, s3;
	s9 =	ssub.s32 $0x2, s3  }
0x8: {  	s3 =	sadd.s32 $0xB200, s6;
	s4 =	sor.u32 s8, s4;
	_ =	strace $0x80000047  }
0x9: {  	s11 =	sshrl.u32 s9, $0x1;
	s8 =	sshrl.u32 @!p0 s1, $0x3;
	s10 =	smul.u32 $0x500, s4  }
0xa: {  	s4 =	sadd.s32 $0xB400, s6;
	s6 =	sadd.s32 s7, s6;
	s31 =	ssub.s32 s9, s11  }
0xb: {  	s9 =	simm.s32 $0x1;
	s11 =	simm.s32 $0x2800;
	s6 =	sadd.s32 $0xBA00, s6  }
0xc: {  	v0 =	vimm.f32 $0.0e+00;
	v1 =	vimm.f32 $1.000000000e+00;
	s7 =	smax.u32 s31, $0x1;
	s5 =	sadd.s32 s5, s10;
	s10 =	simm.s32 $0x5000  }
.LBB2_1:
0xd: {  	s14 =	simm.s32 @!p0 $0x1C01  }
0xe: {  	[spmem:s8], [sflag:s14] =	dma.local @!p0 [hbm:s4], $0x4F0  }
0xf: {  	s14 =	simm.s32 @!p0 $0x1  }
0x10: {  	_ =	swait.ge @!p0 [sflag:s14], $0x4F0  }
0x11: {  	[sflag:s14] =	ssyncset.done @!p0 $0x0  }
0x12: {  	[sflag:s14] =	ssyncadd.s32 @!p0 $0xFFFFFB10  }
0x13: {  	[tilespmem:s2], [sflag:$0x1] =	stream.linear.gather [hbm4b:s5+s2], $0x2780, $0x38;
	[tilespmem:$0x52F8] =	vst v63  }
0x14: {  	_ =	swait.ge [sflag:s9], $0x2780  }
0x15: {  	[sflag:s9] =	ssyncset.done $0x0  }
0x16: {  	[sflag:s9] =	ssyncadd.s32 $0xFFFFD880  }
0x17: {  	[tilespmem:s10], [sflag:$0x1] =	stream.linear.gather [hbm4b:s3+s2], $0x80, $0x38;
	[tilespmem:$0x52F8] =	vst v63  }
0x18: {  	_ =	swait.ge [sflag:s9], $0x80  }
0x19: {  	s15 =	simm.s32 $0x70;
	[sflag:s9] =	ssyncset.done $0x0  }
0x1a: {  	s16 =	simm.s32 $0x3C0;
	s14 =	simm.s32 $0x1C0;
	[sflag:s9] =	ssyncadd.s32 $0xFFFFFF80  }
.LBB2_2:
0x1b: {  	p1 =	sne.s32 s16, $0x9DC0;
	[tilespmem:s15+$0x2800] =	vst v0  }
0x1c: {  	[tilespmem:s15+$0x2790] =	vst v0  }
0x1d: {  	[tilespmem:s15+$0x27A0] =	vst v0  }
.Ltmp0:
0x1e: {  	[tilespmem:s15+$0x27B0] =	vst v0;
	(pc) =	sbr.rel @p1 .LBB2_2-.Ltmp0, $4  }
0x1f: {  	[tilespmem:s15+$0x27C0] =	vst v0  }
0x20: {  	[tilespmem:s15+$0x27D0] =	vst v0  }
0x21: {  	[tilespmem:s15+$0x27E0] =	vst v0  }
0x22: {  	[tilespmem:s15+$0x27F0] =	vst v0;
	s15 =	sshra.s32 s16, $0x2;
	s16 =	sadd.s32 $0x200, s16  }
0x23: {  	[tilespmem:s15+$0x2800] =	vst v0  }
0x24: {  	[tilespmem:s15+$0x2790] =	vst v0  }
0x25: {  	[tilespmem:s15+$0x27A0] =	vst v0  }
0x26: {  	[tilespmem:s15+$0x27B0] =	vst v0  }
0x27: {  	[tilespmem:s15+$0x27C0] =	vst v0  }
0x28: {  	[tilespmem:s15+$0x27D0] =	vst v0  }
0x29: {  	[tilespmem:s15+$0x27E0] =	vst v0  }
0x2a: {  	[tilespmem:s15+$0x27F0] =	vst v0  }
.LBB2_4:
0x2b: {  	s15 =	sshra.s32 s14, $0x2  }
0x2c: {  	v2 =	vld [tilespmem:s15+$0xFFFFFF90];
	_ =	sdelay $0x7  }
0x2d: {  	[tilespmem:v2+s11+$0x0] =	vst.idx.add.f32.msk $0xffff, v1  }
0x2e: {  	v2 =	vld [tilespmem:s15+$0xFFFFFFA0];
	_ =	sdelay $0x7  }
0x2f: {  	[tilespmem:v2+s11+$0x0] =	vst.idx.add.f32.msk $0xffff, v1  }
0x30: {  	v2 =	vld [tilespmem:s15+$0xFFFFFFB0];
	_ =	sdelay $0x7  }
0x31: {  	[tilespmem:v2+s11+$0x0] =	vst.idx.add.f32.msk $0xffff, v1  }
0x32: {  	v2 =	vld [tilespmem:s15+$0xFFFFFFC0];
	_ =	sdelay $0x7  }
0x33: {  	[tilespmem:v2+s11+$0x0] =	vst.idx.add.f32.msk $0xffff, v1  }
0x34: {  	v2 =	vld [tilespmem:s15+$0xFFFFFFD0];
	_ =	sdelay $0x7  }
0x35: {  	[tilespmem:v2+s11+$0x0] =	vst.idx.add.f32.msk $0xffff, v1  }
0x36: {  	v2 =	vld [tilespmem:s15+$0xFFFFFFE0];
	_ =	sdelay $0x7  }
0x37: {  	[tilespmem:v2+s11+$0x0] =	vst.idx.add.f32.msk $0xffff, v1  }
0x38: {  	v2 =	vld [tilespmem:s15+$0xFFFFFFF0];
	_ =	sdelay $0x7  }
0x39: {  	[tilespmem:v2+s11+$0x0] =	vst.idx.add.f32.msk $0xffff, v1  }
0x3a: {  	v2 =	vld [tilespmem:s15+$0x0];
	_ =	sdelay $0x2  }
0x3b: {  	p1 =	sne.s32 s14, $0x9DC0  }
.Ltmp1:
0x3c: {  	_ = 	snop;
	(pc) =	sbr.rel @p1 .LBB2_4-.Ltmp1, $2  }
0x3d: {  	_ =	sdelay $0x2  }
0x3e: {  	s14 =	sadd.s32 $0x200, s14;
	[tilespmem:v2+s11+$0x0] =	vst.idx.add.f32.msk $0xffff, v1  }
0x3f: {  	[bflag:$0x0] =	sbarrier.arrive $0xFFFF  }
0x40: {  	[spmem:s1] =	stream.indirect.scatter.add.f32 [tilespmem:s11], [sflag:$0x1], $0x80, s10, s12, $0xb8;
	[tilespmem:$0x52F8] =	vst v63  }
0x41: {  	_ =	swait.ge [sflag:s9], $0x2780  }
0x42: {  	[sflag:s9] =	ssyncset.done $0x0  }
0x43: {  	s13 =	sadd.s32 $0x1, s13;
	[sflag:s9] =	ssyncadd.s32 $0xFFFFD880  }
0x44: {  	s14 =	simm.s32 @!p0 $0x1C01;
	p1 =	sne.s32 s13, s7;
	[bflag:$0x0] =	sbarrier.arrive $0xFFFF  }
0x45: {  	[hbm:s6], [sflag:s14] =	dma.local @!p0 [spmem:s8], $0x4F0  }
.Ltmp2:
0x46: {  	_ = 	snop;
	(pc) =	sbr.rel @p1 .LBB2_1-.Ltmp2, $4  }
0x47: {  	s14 =	simm.s32 @!p0 $0x1  }
0x48: {  	_ =	swait.ge @!p0 [sflag:s14], $0x4F0  }
0x49: {  	[sflag:s14] =	ssyncset.done @!p0 $0x0  }
0x4a: {  	[sflag:s14] =	ssyncadd.s32 @!p0 $0xFFFFFB10  }
0x4b: {  	_ =	sfence.sel $0x180000  }
0x4c: {  	[bflag:$0x0] =	sbarrier.arrive $0xFFFF  }
0x4d: {  	_ =	strace $0x90000047  }
0x4e: {  	s0 =	sadd.s32 @!p0 $0x100000, s0;
	[bflag:$0x2] =	sbarrier.arrive $0xFFFF  }
0x4f: {  	[sflag:s0] =	ssyncadd.tile.s32 @!p0 $0x1;
	_ =	shalt  }
.Lfunc_end2:
_tile_overlayer_lowered:
.L_overlay_start_2:
0x50: {  	(tag) =	ssettag $0x2  }
0x51: {  	s0 =	rddreg [dreg:$0x0];
	s2 =	stileid.u32  }
0x52: {  	s1 =	rddreg [dreg:$0x1];
	p0 =	sne.s32 s2, $0x0  }
0x53: {  	s3 =	rddreg [dreg:$0x2];
	[bflag:$0x3] =	sbarrier.arrive $0xFFFF;
	s2 =	simm.s32 @!p0 $0x1C01  }
0x54: {  	[timem:s3], [sflag:s2] =	dma.local @!p0 [hbm:s0], s1  }
0x55: {  	s0 =	simm.s32 @!p0 $0x1  }
0x56: {  	_ =	swait.ge @!p0 [sflag:s0], s1  }
0x57: {  	s1 =	ssub.s32 @!p0 $0x0, s1;
	[sflag:s0] =	ssyncset.done @!p0 $0x0  }
0x58: {  	[sflag:s0] =	ssyncadd.s32 @!p0 s1  }
0x59: {  	[bflag:$0x3] =	sbarrier.arrive $0xFFFF  }
0x5a: {  	_ =	shalt  }

// kernel: kernel.9.cloned.1.call-start
scs
__scs_entry_jumppad:
0x0: {  	(pc) =	sbr.rel $0x88, $3  }
0x1: {  	(tag) =	ssettag $0x0;
	lr =	simm.s32 $0x1  }
0x2: {  	[smem:$0x3F9D] =	sst lr;
	_ =	strace $0xD0000000  }
0x3: {  	_ = 	snop  }
0x4: {  	_ = 	snop  }
0x5: {  	_ = 	snop  }
0x6: {  	_ = 	snop  }
0x7: {  	_ = 	snop  }
__scs_overlays_trampoline_lowered:
0x8: {  	[smem:$0x3FAC] =	sst s0  }
0x9: {  	[smem:$0x3FAD] =	sst s1  }
0xa: {  	[smem:$0x3FAE] =	sst s2  }
0xb: {  	[smem:$0x3FAF] =	sst s3  }
0xc: {  	[smem:$0x3FB0] =	sst s4  }
0xd: {  	[smem:$0x3FB1] =	sst s5  }
0xe: {  	[smem:$0x3FB2] =	sst s6  }
0xf: {  	[smem:$0x3FB3] =	sst s7  }
0x10: {  	[smem:$0x3FB4] =	sst s8  }
0x11: {  	[smem:$0x3FB5] =	sst s9;
	s0 =	simm.s32 @!p0 $0x0  }
0x12: {  	s1 =	sld [smem:$0x3F9B];
	s0 =	simm.s32 @p0 $0x1  }
0x13: {  	[smem:$0x3FB6] =	sst s0;
	s0 =	simm.s32 @!p1 $0x0  }
0x14: {  	s2 =	sld [smem:$0x3F9A];
	s0 =	simm.s32 @p1 $0x1  }
0x15: {  	[smem:$0x3FB7] =	sst s0;
	s0 =	simm.s32 @!p2 $0x0  }
0x16: {  	s3 =	sld [smem:$0x3FDB];
	s0 =	simm.s32 @p2 $0x1  }
0x17: {  	s4 =	simm.s32 $0x1BF5;
	[smem:$0x3FB9] =	sst s0  }
0x18: {  	s0 =	sld [smem:$0x3F9C];
	_ =	swait.ge [sflag:s4], $0x0  }
0x19: {  	s7 =	sld [smem:$0x3F9D]  }
0x1a: {  	s8 =	sadd.s32 $0xFFFFE003, lr  }
0x1b: {  	s9 =	sadd.s32 $0xFFFFFEF7, lr;
	s5 =	simm.s32 $0xFFFFFFFF;
	p2 =	slt.u32 s8, $0xFFFFF086  }
0x1c: {  	p1 =	slt.u32 s9, $0xF7A;
	s5 =	simm.s32 @!p2 $0x0  }
0x1d: {  	s5 =	simm.s32 @p1 $0x1;
	p0 =	seq.s32 s7, s2  }
0x1e: {  	s7 =	smul.u32 @!p0 $0xF7A, s2;
	p2 =	seq.s32 @!p0 s5, $0x0  }
0x1f: {  	s9 =	smul.u32 $0xF7A, s1;
	s8 =	simm.s32 @!p0 $0x1BF5;
	p2 =	por !p2, p0  }
0x20: {  	[sflag:s8] =	ssyncset.s32 @!p0 $0xFFFFF086;
	s6 =	sadd.s32 @!p0 s3, s7;
	s7 =	simm.s32 @!p0 $0x108  }
0x21: {  	s3 =	sadd.s32 s3, s9;
	s6 =	sadd.s32 @!p0 $0x88, s6;
	s7 =	simm.s32 @p2 $0x1082  }
0x22: {  	[simem:s7], [sflag:s8] =	dma.local @!p0 [hbm:s6], $0xF7A  }
0x23: {  	s9 =	sor.u32 $0xD0000000, s2;
	s6 =	simm.s32 $0x108;
	_ =	swait.ge @!p0 [sflag:s8], $0x0  }
0x24: {  	s3 =	sadd.s32 $0x88, s3;
	s6 =	simm.s32 @!p1 $0x1082;
	[sflag:s4] =	ssyncset.s32 $0xFFFFF086  }
0x25: {  	[simem:s6], [sflag:s4] =	dma.local [hbm:s3], $0xF7A  }
0x26: {  	[smem:$0x3F9D] =	sst s1;
	(tag) =	ssettag s2;
	_ =	strace s9  }
0x27: {  	s1 =	sld [smem:$0x3FAD]  }
0x28: {  	s2 =	sld [smem:$0x3FAE]  }
0x29: {  	s4 =	sld [smem:$0x3FB0]  }
0x2a: {  	p0 =	seq.s32 s5, $0x0;
	s5 =	sld [smem:$0x3FB1]  }
0x2b: {  	s6 =	sld [smem:$0x3FB2]  }
0x2c: {  	s7 =	sld [smem:$0x3FB3]  }
0x2d: {  	s3 =	simm.s32 $0x108;
	s8 =	sld [smem:$0x3FB4]  }
0x2e: {  	s3 =	simm.s32 @!p0 $0x1082;
	s9 =	sld [smem:$0x3FB5]  }
0x2f: {  	lr =	sadd.s32 s0, s3;
	s0 =	sld [smem:$0x3FAC]  }
0x30: {  	s3 =	sld [smem:$0x3FAF]  }
0x31: {  	[smem:$0x3FB8] =	sst s10  }
0x32: {  	s10 =	sld [smem:$0x3FB6];
	_ =	sdelay $0x3  }
0x33: {  	p0 =	seq.s32 s10, $0x1;
	s10 =	sld [smem:$0x3FB8];
	_ =	sdelay $0x3  }
0x34: {  	[smem:$0x3FB8] =	sst s10  }
0x35: {  	s10 =	sld [smem:$0x3FB7];
	_ =	sdelay $0x3  }
0x36: {  	p1 =	seq.s32 s10, $0x1;
	s10 =	sld [smem:$0x3FB8];
	_ =	sdelay $0x3  }
0x37: {  	[smem:$0x3FB8] =	sst s10  }
0x38: {  	s10 =	sld [smem:$0x3FB9]  }
0x39: {  	_ = 	snop;
	(pc) =	sbr.ind lr, $3  }
0x3a: {  	_ = 	snop  }
0x3b: {  	_ = 	snop  }
0x3c: {  	p2 =	seq.s32 s10, $0x1;
	s10 =	sld [smem:$0x3FB8]  }
0x3d: {  	_ =	shalt  }
0x3e: {  	_ =	shalt  }
0x3f: {  	_ =	shalt  }
0x40: {  	_ =	shalt  }
0x41: {  	_ =	shalt  }
0x42: {  	_ =	shalt  }
0x43: {  	_ =	shalt  }
0x44: {  	_ =	shalt  }
0x45: {  	_ =	shalt  }
0x46: {  	_ =	shalt  }
0x47: {  	_ =	shalt  }
0x48: {  	_ =	shalt  }
0x49: {  	_ =	shalt  }
0x4a: {  	_ =	shalt  }
0x4b: {  	_ =	shalt  }
0x4c: {  	_ =	shalt  }
0x4d: {  	_ =	shalt  }
0x4e: {  	_ =	shalt  }
0x4f: {  	_ =	shalt  }
0x50: {  	_ =	shalt  }
0x51: {  	_ =	shalt  }
0x52: {  	_ =	shalt  }
0x53: {  	_ =	shalt  }
0x54: {  	_ =	shalt  }
0x55: {  	_ =	shalt  }
0x56: {  	_ =	shalt  }
0x57: {  	_ =	shalt  }
0x58: {  	_ =	shalt  }
0x59: {  	_ =	shalt  }
0x5a: {  	_ =	shalt  }
0x5b: {  	_ =	shalt  }
0x5c: {  	_ =	shalt  }
0x5d: {  	_ =	shalt  }
0x5e: {  	_ =	shalt  }
0x5f: {  	_ =	shalt  }
0x60: {  	_ =	shalt  }
0x61: {  	_ =	shalt  }
0x62: {  	_ =	shalt  }
0x63: {  	_ =	shalt  }
0x64: {  	_ =	shalt  }
0x65: {  	_ =	shalt  }
0x66: {  	_ =	shalt  }
0x67: {  	_ =	shalt  }
0x68: {  	_ =	shalt  }
0x69: {  	_ =	shalt  }
0x6a: {  	_ =	shalt  }
0x6b: {  	_ =	shalt  }
0x6c: {  	_ =	shalt  }
0x6d: {  	_ =	shalt  }
0x6e: {  	_ =	shalt  }
0x6f: {  	_ =	shalt  }
0x70: {  	_ =	shalt  }
0x71: {  	_ =	shalt  }
0x72: {  	_ =	shalt  }
0x73: {  	_ =	shalt  }
0x74: {  	_ =	shalt  }
0x75: {  	_ =	shalt  }
0x76: {  	_ =	shalt  }
0x77: {  	_ =	shalt  }
0x78: {  	_ =	shalt  }
0x79: {  	_ =	shalt  }
0x7a: {  	_ =	shalt  }
0x7b: {  	_ =	shalt  }
0x7c: {  	_ =	shalt  }
0x7d: {  	_ =	shalt  }
0x7e: {  	_ =	shalt  }
0x7f: {  	_ =	shalt  }
0x80: {  	_ =	shalt  }
0x81: {  	_ =	shalt  }
0x82: {  	_ =	shalt  }
0x83: {  	_ =	shalt  }
0x84: {  	_ =	shalt  }
0x85: {  	_ =	shalt  }
0x86: {  	_ =	shalt  }
0x87: {  	_ =	shalt  }
.Lfunc_end0:
.L_simem_size_0:
called_computation.1_lowered:
.L_overlay_start_0:
0x88: {  	s2 =	sld [smem:$0x3FD9]  }
0x89: {  	s3 =	sld [smem:$0x3FFE];
	_ =	sdelay $0x1  }
0x8a: {  	s1 =	srdreg.scid  }
0x8b: {  	s0 =	sand.u32 $0x1, s1  }
0x8c: {  	s16 =	sshll.u32 s0, $0xA;
	s2 =	sadd.s32 s3, s2  }
0x8d: {  	s2 =	sadd.s32 s2, s16  }
0x8e: {  	[smem:$0x3FC4] =	sst s2  }
0x8f: {  	_ = 	snop  }
0x90: {  	(tm) =	ssettm $0x1  }
0x91: {  	s17 =	sld [smem:$0x3FFB];
	_ =	sdelay $0x3  }
0x92: {  	_ =	strace s17  }
0x93: {  	s2 =	sld [smem:$0x3FFC];
	_ =	sdelay $0x3  }
0x94: {  	_ =	strace s2  }
0x95: {  	s2 =	sld [smem:$0x3FFD];
	_ =	sdelay $0x3  }
0x96: {  	_ =	strace s2  }
0x97: {  	_ =	strace $0x8FFFFFFF  }
0x98: {  	s18 =	sld [smem:$0x3FDB];
	_ =	sdelay $0x1  }
0x99: {  	s19 =	simm.s32 $_scs_section_size  }
0x9a: {  	s4 =	simm.s32 $_size__tile_overlayer_lowered;
	s5 =	simm.s32 $_tile_overlayer_lowered  }
0x9b: {  	s22 =	simm.s32 $0x1BFF;
	s21 =	sshll.u32 s5, $0x1;
	s2 =	sadd.s32 s19, s18  }
0x9c: {  	s6 =	simm.s32 $0x0;
	s20 =	sshll.u32 s4, $0x1;
	s4 =	sadd.s32 s21, s2  }
0x9d: {  	[timem:s6], [sflag:s22] =	dma.local [hbm:s4], s20  }
0x9e: {  	_ =	swait.ge [sflag:s22], s20  }
0x9f: {  	s3 =	ssub.s32 $0x0, s20;
	[sflag:s22] =	ssyncset.done $0x0  }
0xa0: {  	[sflag:s22] =	ssyncadd.s32 s3;
	_ =	sdelay $0x1  }
0xa1: {  	s23 =	simm.s32 $0x1B8B  }
0xa2: {  	_ =	swait.ge [sflag:s23], $0x1  }
0xa3: {  	[sflag:s23] =	ssyncset.done $0x0  }
0xa4: {  	s25 =	simm.s32 $0x1B8E;
	s24 =	sld [smem:$0x3FFE];
	[sflag:s23] =	ssyncadd.s32 $0xFFFFFFFF  }
0xa5: {  	s26 =	simm.s32 $execute0_lowered;
	[smem:$0x3FD2] =	sst s25  }
0xa6: {  	s4 =	sshll.u32 s26, $0x1;
	_ =	strace $0x80000049;
	[dreg:$0x1] =	wrdreg $0xFFFFFFFF  }
0xa7: {  	s28 =	simm.s32 $_size_execute0_lowered;
	s2 =	sadd.s32 s2, s4;
	[dreg:$0x0] =	wrdreg $0x0  }
0xa8: {  	s4 =	sshll.u32 s28, $0x1;
	[dreg:$0x2] =	wrdreg s2  }
0xa9: {  	[dreg:$0x3] =	wrdreg s4  }
0xaa: {  	[dreg:$0x4] =	wrdreg $0xC0  }
0xab: {  	_ =	task [dreg:s6], $0x5FFFF  }
0xac: {  	[dreg:$0x1] =	wrdreg $0xFFFFFFFF  }
0xad: {  	[dreg:$0x0] =	wrdreg $0x60  }
0xae: {  	[dreg:$0x2] =	wrdreg s24  }
0xaf: {  	[dreg:$0x3] =	wrdreg $0xA9000  }
0xb0: {  	[dreg:$0x4] =	wrdreg $0x9  }
0xb1: {  	_ =	task.clear_ibuf [dreg:s6], $0x5FFFF;
	_ =	strace $0x90000049  }
0xb2: {  	s29 =	simm.s32 $0x9;
	_ =	strace $0x8000004B  }
0xb3: {  	_ =	swait.ge [sflag:s29], $0x1  }
0xb4: {  	[sflag:s29] =	ssyncadd.s32 $0xFFFFFFFF  }
0xb5: {  	_ =	strace $0x9000004B  }
0xb6: {  	_ =	sfence  }
0xb7: {  	s30 =	sld [smem:$0x0];
	_ =	sdelay $0x2  }
0xb8: {  	s31 =	sshll.u32 s1, $0xD;
	s1 =	sshrl.u32 s1, $0x2  }
0xb9: {  	s3 =	sand.u32 $0x4000, s31;
	s1 =	sadd.s32 s1, s30  }
0xba: {  	s0 =	sor.u32 s3, s0;
	s1 =	sshll.u32 s1, $0x11  }
0xbb: {  	s0 =	sor.u32 s1, s0  }
0xbc: {  	s0 =	sadd.s32 $0x8F2B, s0  }
0xbd: {  	[sflag:s0] =	ssyncadd.remote.s32 $0x1  }
0xbe: {  	_ =	sfence.sel $0xFFFF  }
0xbf: {  	[dreg:$0x0] =	wrdreg $0xFFFFFFFF;
	(pc) =	sbr.abs _section_cstart, $3  }
0xc0: {  	[dreg:$0x1] =	wrdreg $0xFFFFFFFF  }
0xc1: {  	_ =	task.clear_ibuf [dreg:s6], $0x2FFFF;
	_ =	strace $0x9FFFFFFF  }
0xc2: {  	(tm) =	ssettm $0x7FFFFFFF  }
0xc3: {  	_ =	shalt  }
tec
execute0_lowered:
.L_overlay_start_1:
0x0: {  	(tag) =	ssettag $0x1  }
0x1: {  	s0 =	srdreg.scid;
	s1 =	rddreg [dreg:$0x0]  }
0x2: {  	s14 =	stileid.u32;
	s2 =	rddreg [dreg:$0x1];
	s15 =	simm.s32 $0x2800  }
0x3: {  	s16 =	simm.s32 $0x2880;
	s17 =	simm.s32 $0x2900;
	s8 =	smul.u32 $0x13C00, s14  }
0x4: {  	s18 =	simm.s32 $0x80;
	s20 =	simm.s32 $0x2;
	s23 =	smul.u32 $0x4F000, s14  }
0x5: {  	s0 =	sand.u32 $0x1, s0;
	s12 =	sadd.s32 $0x1400, s1;
	s25 =	smul.u32 $0x2780, s14  }
0x6: {  	s28 =	sshll.u32 s14, $0x6;
	s3 =	sshll.u32 s0, $0x4;
	s4 =	smul.u32 $0x13C000, s0  }
0x7: {  	s24 =	ssub.s32 $0x2, s0;
	s0 =	smul.u32 $0x27800, s0;
	s5 =	sor.u32 s14, s3  }
0x8: {  	s3 =	simm.s32 $0x0;
	s22 =	sshrl.u32 s8, $0x3;
	s10 =	sshrl.u32 s24, $0x1  }
0x9: {  	s14 =	simm.s32 $0x5;
	s6 =	smul.u32 $0x500, s5;
	[smem:$0x7FF] =	sst s3  }
0xa: {  	s7 =	sshrl.u32 s4, $0x3;
	s4 =	sadd.s32 s8, s4;
	s5 =	smul.u32 $0x2780, s5  }
0xb: {  	s8 =	sshrl.u32 s23, $0x2;
	s11 =	ssub.s32 s24, s10;
	s0 =	sadd.s32 s25, s0  }
0xc: {  	s23 =	simm.s32 $0x1;
	s24 =	simm.s32 $0x3;
	s25 =	simm.s32 $0x0  }
0xd: {  	_ =	strace $0x8000004A;
	s9 =	sadd.s32 s7, s1;
	s4 =	sshrl.u32 s4, $0x3  }
0xe: {  	s13 =	sadd.s32 s8, s2;
	s0 =	sadd.s32 $0x100, s0;
	s11 =	smax.u32 s11, $0x1  }
0xf: {  	s21 =	sadd.s32 s6, s1;
	s6 =	sadd.s32 s22, s1;
	s1 =	sadd.s32 s4, s1  }
0x10: {  	s29 =	sshrl.u32 s5, $0x3;
	s5 =	sor.u32 $0x1C05, s28;
	s9 =	sadd.s32 $0x16400, s9  }
0x11: {  	s0 =	sshrl.u32 s0, $0x3;
	s13 =	sshrl.u32 s13, $0x3;
	s26 =	sadd.s32 $0x65400, s6  }
0x12: {  	s6 =	sadd.s32 s12, s29;
	s30 =	sadd.s32 $0xC400, s21;
	[dreg:$0x3] =	wrdreg s26  }
0x13: {  	s10 =	sadd.s32 $0x8CC00, s1;
	[dreg:$0x4] =	wrdreg s30;
	s31 =	sadd.s32 $0x10, s6  }
0x14: {  	s0 =	sadd.s32 s0, s12;
	s21 =	simm.s32 $0x4;
	[dreg:$0x5] =	wrdreg s31  }
.LBB2_1:
0x15: {  	s1 =	rddreg [dreg:$0x3]  }
0x16: {  	[spmem:s13], [sflag:s5] =	dma.local [hbm:s1], $0x2780  }
0x17: {  	_ =	swait.ge [sflag:s14], $0x2780  }
0x18: {  	[sflag:s14] =	ssyncset.done $0x0  }
0x19: {  	s22 =	rddreg [dreg:$0x4];
	[sflag:s14] =	ssyncadd.s32 $0xFFFFD880  }
0x1a: {  	[tilespmem:s3], [sflag:$0x5] =	stream.linear.gather [hbm4b:s22+s3], $0x2780, $0x38;
	[tilespmem:$0x1E500] =	vst v63  }
0x1b: {  	_ =	swait.ge [sflag:s14], $0x2780  }
0x1c: {  	[sflag:s14] =	ssyncset.done $0x0  }
0x1d: {  	[sflag:s14] =	ssyncadd.s32 $0xFFFFD880  }
0x1e: {  	s12 =	sand.u32 $0x1, s3;
	[bflag:$0x0] =	sbarrier.arrive $0xFFFF  }
0x1f: {  	[tilespmem:s15], [sflag:$0x3] =	stream.linear.gather [hbm4b:s6+s3], $0x80, $0x38;
	[tilespmem:$0x1E500] =	vst v63  }
0x20: {  	s4 =	sxor.u32 $0x1, s12;
	s26 =	rddreg [dreg:$0x5]  }
0x21: {  	[tilespmem:s16], [sflag:$0x4] =	stream.linear.gather [hbm4b:s26+s3], $0x80, $0x38;
	[tilespmem:$0x1E500] =	vst v63  }
0x22: {  	s19 =	sshll.u32 s4, $0xE  }
0x23: {  	[tilespmem:s17], [sflag:$0x1] =	stream.indirect.gather [hbm4b:s9+s18], $0x80, s3, s18, $0xb8;
	[tilespmem:$0x1E500] =	vst v63  }
0x24: {  	s1 =	sadd.s32 $0x1, s4;
	s19 =	sor.u32 $0x2900, s19;
	s22 =	sadd.s32 $0x1, s12  }
0x25: {  	[tilespmem:s19], [sflag:s1] =	stream.indirect.gather [hbm4b:s9+s18], $0x80, s18, s18, $0xb8;
	[tilespmem:$0x1E500] =	vst v63  }
0x26: {  	_ =	swait.ge [sflag:s22], $0x4000  }
0x27: {  	s29 =	simm.s32 $0x2;
	[sflag:s22] =	ssyncset.done $0x0  }
0x28: {  	s7 =	sshll.u32 s12, $0xE;
	s1 =	sadd.s32 $0x3, s12;
	[sflag:s22] =	ssyncadd.s32 $0xFFFFC000  }
0x29: {  	s28 =	simm.s32 $0x100;
	s8 =	sor.u32 $0x2900, s7;
	_ =	swait.ge [sflag:s1], $0x80  }
0x2a: {  	s26 =	simm.s32 $0x1;
	s12 =	sshll.u32 s12, $0x7;
	[sflag:s1] =	ssyncset.done $0x0  }
0x2b: {  	s30 =	sand.u32 $0x1, s26;
	s19 =	sor.u32 $0x2800, s12;
	[sflag:s1] =	ssyncadd.s32 $0xFFFFFF80  }
0x2c: {  	[spmem:s2] =	stream.indirect.scatter.add.f32 [tilespmem:s8], [sflag:$0x5], $0x80, s19, s18, $0xb8;
	[tilespmem:$0x1E500] =	vst v63  }
0x2d: {  	s26 =	sadd.s32 $0x10, s0;
	s31 =	sshll.u32 s30, $0xE;
	_ =	swait.ge [sflag:s14], $0x4000  }
0x2e: {  	s12 =	smov.u32 s0;
	s22 =	sxor.u32 $0x1, s30;
	[sflag:s14] =	ssyncset.done $0x0  }
.LBB2_2:
0x2f: {  	s4 =	sshll.u32 s22, $0xE  }
0x30: {  	s7 =	sshll.u32 s30, $0x7;
	[sflag:s14] =	ssyncadd.s32 $0xFFFFC000;
	s8 =	smov.u32 s29  }
0x31: {  	[tilespmem:s19], [sflag:s1] =	stream.linear.gather [hbm4b:s12+s3], $0x80, $0x38;
	[tilespmem:$0x1E500] =	vst v63  }
0x32: {  	s1 =	sor.u32 $0x2900, s4;
	s4 =	sadd.s32 $0x1, s22;
	s19 =	sadd.s32 $0x1, s30  }
0x33: {  	[tilespmem:s1], [sflag:s4] =	stream.indirect.gather [hbm4b:s9+s18], $0x80, s28, s18, $0xb8;
	[tilespmem:$0x1E500] =	vst v63  }
0x34: {  	p0 =	sne.s32 s29, $0x4C;
	s29 =	sadd.s32 $0x1, s29;
	_ =	swait.ge [sflag:s19], $0x4000  }
0x35: {  	s12 =	smov.u32 s26;
	[sflag:s19] =	ssyncset.done $0x0  }
0x36: {  	s1 =	sadd.s32 $0x3, s30;
	[sflag:s19] =	ssyncadd.s32 $0xFFFFC000  }
0x37: {  	_ =	swait.ge [sflag:s1], $0x80  }
.Ltmp0:
0x38: {  	s28 =	sadd.s32 $0x80, s28;
	[sflag:s1] =	ssyncset.done $0x0;
	(pc) =	sbr.rel @p0 .LBB2_2-.Ltmp0, $4  }
0x39: {  	s4 =	sor.u32 $0x2900, s31;
	s19 =	sor.u32 $0x2800, s7;
	[sflag:s1] =	ssyncadd.s32 $0xFFFFFF80  }
0x3a: {  	[spmem:s2] =	stream.indirect.scatter.add.f32 [tilespmem:s4], [sflag:$0x5], $0x80, s19, s18, $0xb8;
	[tilespmem:$0x1E500] =	vst v63  }
0x3b: {  	s26 =	sadd.s32 $0x10, s26;
	s30 =	sand.u32 $0x1, s8;
	_ =	swait.ge [sflag:s14], $0x4000  }
0x3c: {  	s22 =	sxor.u32 $0x1, s30;
	s31 =	sshll.u32 s30, $0xE;
	[sflag:s14] =	ssyncset.done $0x0  }
0x3d: {  	[sflag:s14] =	ssyncadd.s32 $0xFFFFC000  }
0x3e: {  	[tilespmem:s19], [sflag:s1] =	stream.linear.gather [hbm4b:s12+s3], $0x80, $0x38;
	[tilespmem:$0x1E500] =	vst v63  }
0x3f: {  	s19 =	sshll.u32 s22, $0xE  }
0x40: {  	s4 =	sadd.s32 $0x1, s22;
	s22 =	sadd.s32 $0x1, s30;
	s1 =	sor.u32 $0x2900, s19  }
0x41: {  	[tilespmem:s1], [sflag:s4] =	stream.indirect.gather [hbm4b:s9+s18], $0x80, s28, s18, $0xb8;
	[tilespmem:$0x1E500] =	vst v63  }
0x42: {  	_ =	swait.ge [sflag:s22], $0x4000  }
0x43: {  	[sflag:s22] =	ssyncset.done $0x0  }
0x44: {  	s28 =	sadd.s32 $0x3, s30;
	[sflag:s22] =	ssyncadd.s32 $0xFFFFC000  }
0x45: {  	_ =	swait.ge [sflag:s28], $0x80  }
0x46: {  	s29 =	sshll.u32 s30, $0x7;
	[sflag:s28] =	ssyncset.done $0x0  }
0x47: {  	s7 =	sor.u32 $0x2900, s31;
	s4 =	sor.u32 $0x2800, s29;
	[sflag:s28] =	ssyncadd.s32 $0xFFFFFF80  }
0x48: {  	[spmem:s2] =	stream.indirect.scatter.add.f32 [tilespmem:s7], [sflag:$0x5], $0x80, s4, s18, $0xb8;
	[tilespmem:$0x1E500] =	vst v63  }
0x49: {  	_ =	swait.ge [sflag:s14], $0x4000  }
0x4a: {  	[sflag:s14] =	ssyncset.done $0x0  }
0x4b: {  	[sflag:s14] =	ssyncadd.s32 $0xFFFFC000  }
0x4c: {  	[tilespmem:s4], [sflag:s28] =	stream.linear.gather [hbm4b:s26+s3], $0x80, $0x38;
	[tilespmem:$0x1E500] =	vst v63  }
0x4d: {  	s30 =	simm.s32 $0x2700  }
0x4e: {  	[tilespmem:s17], [sflag:$0x1] =	stream.indirect.gather [hbm4b:s9+s18], $0x80, s30, s18, $0xb8;
	[tilespmem:$0x1E500] =	vst v63  }
0x4f: {  	_ =	swait.ge [sflag:s20], $0x4000  }
0x50: {  	[sflag:s20] =	ssyncset.done $0x0  }
0x51: {  	[sflag:s20] =	ssyncadd.s32 $0xFFFFC000  }
0x52: {  	_ =	swait.ge [sflag:s21], $0x80  }
0x53: {  	[sflag:s21] =	ssyncset.done $0x0  }
0x54: {  	s31 =	simm.s32 $0x6900;
	[sflag:s21] =	ssyncadd.s32 $0xFFFFFF80  }
0x55: {  	[spmem:s2] =	stream.indirect.scatter.add.f32 [tilespmem:s31], [sflag:$0x5], $0x80, s16, s18, $0xb8;
	[tilespmem:$0x1E500] =	vst v63  }
0x56: {  	_ =	swait.ge [sflag:s14], $0x4000  }
0x57: {  	[sflag:s14] =	ssyncset.done $0x0  }
0x58: {  	[sflag:s14] =	ssyncadd.s32 $0xFFFFC000  }
0x59: {  	_ =	swait.ge [sflag:s23], $0x4000  }
0x5a: {  	[sflag:s23] =	ssyncset.done $0x0  }
0x5b: {  	[sflag:s23] =	ssyncadd.s32 $0xFFFFC000  }
0x5c: {  	_ =	swait.ge [sflag:s24], $0x80  }
0x5d: {  	[sflag:s24] =	ssyncset.done $0x0  }
0x5e: {  	[sflag:s24] =	ssyncadd.s32 $0xFFFFFF80  }
0x5f: {  	[spmem:s2] =	stream.indirect.scatter.add.f32 [tilespmem:s17], [sflag:$0x5], $0x80, s15, s18, $0xb8;
	[tilespmem:$0x1E500] =	vst v63  }
0x60: {  	_ =	swait.ge [sflag:s14], $0x4000  }
0x61: {  	s25 =	sadd.s32 $0x1, s25;
	[sflag:s14] =	ssyncset.done $0x0  }
0x62: {  	p0 =	sne.s32 s25, s11;
	[sflag:s14] =	ssyncadd.s32 $0xFFFFC000  }
.Ltmp1:
0x63: {  	[bflag:$0x0] =	sbarrier.arrive $0xFFFF;
	(pc) =	sbr.rel @p0 .LBB2_1-.Ltmp1, $4  }
0x64: {  	[hbm:s10], [sflag:s5] =	dma.local [spmem:s13], $0x2780  }
0x65: {  	_ =	swait.ge [sflag:s14], $0x2780  }
0x66: {  	[sflag:s14] =	ssyncset.done $0x0  }
0x67: {  	[sflag:s14] =	ssyncadd.s32 $0xFFFFD880  }
0x68: {  	_ =	sfence.sel $0x180000  }
0x69: {  	[bflag:$0x0] =	sbarrier.arrive $0xFFFF  }
0x6a: {  	_ =	strace $0x9000004A  }
0x6b: {  	s0 =	stileid.u32;
	[bflag:$0x2] =	sbarrier.arrive $0xFFFF  }
0x6c: {  	p0 =	sne.s32 s0, $0x0;
	s0 =	rddreg [dreg:$0x2]  }
0x6d: {  	s0 =	sadd.s32 @!p0 $0x100000, s0  }
0x6e: {  	[sflag:s0] =	ssyncadd.tile.s32 @!p0 $0x1;
	_ =	shalt  }
.Lfunc_end2:
_tile_overlayer_lowered:
.L_overlay_start_2:
0x6f: {  	(tag) =	ssettag $0x2  }
0x70: {  	s0 =	rddreg [dreg:$0x0];
	s2 =	stileid.u32  }
0x71: {  	s1 =	rddreg [dreg:$0x1];
	p0 =	sne.s32 s2, $0x0  }
0x72: {  	s3 =	rddreg [dreg:$0x2];
	[bflag:$0x3] =	sbarrier.arrive $0xFFFF;
	s2 =	simm.s32 @!p0 $0x1C05  }
0x73: {  	[timem:s3], [sflag:s2] =	dma.local @!p0 [hbm:s0], s1  }
0x74: {  	s0 =	simm.s32 @!p0 $0x5  }
0x75: {  	_ =	swait.ge @!p0 [sflag:s0], s1  }
0x76: {  	s1 =	ssub.s32 @!p0 $0x0, s1;
	[sflag:s0] =	ssyncset.done @!p0 $0x0  }
0x77: {  	[sflag:s0] =	ssyncadd.s32 @!p0 s1  }
0x78: {  	[bflag:$0x3] =	sbarrier.arrive $0xFFFF  }
0x79: {  	_ =	shalt  }

</sc_bundles>
